<compile_context>
chip_gen: v7x
topology: tpu7x:2x2x1
jax: 0.10.2.dev20260603
libtpu: 0.0.44.dev20260713+nightly
codegen_flags: <defaults>
</compile_context>

<pallas_src>
import jax
import jax.numpy as jnp
from jax import lax
from jax.experimental import pallas as pl
from jax.experimental.pallas import tpu as pltpu
from jax.experimental.pallas import tpu_sc as plsc

N, E, D, H = 10000, 320000, 128, 8
DH = D // H
HD2 = D // 2

NTILES = 32
EPT_B = E // NTILES
EPT_D = E // 16
CHUNK_B = 400
CHUNK_D = 160
NCH_B = EPT_B // CHUNK_B
NCH_D = EPT_D // CHUNK_D
NROW = 624
NROW_LAST = N - 15 * NROW

_f32 = jnp.float32


def _ln(x, g, b):
    mu = jnp.mean(x, axis=-1, keepdims=True)
    var = jnp.mean((x - mu) ** 2, axis=-1, keepdims=True)
    return (x - mu) / jnp.sqrt(var + 1e-5) * g + b


def _node_pre_body(h_ref, qw_ref, qb_ref, kw_ref, kb_ref, vw_ref, vb_ref,
                   g1_ref, b1_ref, ga_ref, ba_ref, t_ref,
                   q_ref, k_ref, v_ref):
    h = h_ref[...]
    hn = _ln(h, g1_ref[...], b1_ref[...])
    ga, ba = ga_ref[...], ba_ref[...]
    scale = 1.0 / (4.0 * t_ref[0, 0])
    q_ref[...] = _ln(hn @ qw_ref[...] + qb_ref[...], ga, ba) * scale
    k_ref[...] = _ln(hn @ kw_ref[...] + kb_ref[...], ga, ba)
    v_ref[...] = _ln(hn @ vw_ref[...] + vb_ref[...], ga, ba)


def _node_pre(h, Qw, Qb, Kw, Kb, Vw, Vb, g1, b1, ga, ba, temp):
    TN = 1000
    grid = (N // TN,)
    row = pl.BlockSpec((1, D), lambda i: (0, 0))
    wspec = pl.BlockSpec((D, D), lambda i: (0, 0))
    nblk = pl.BlockSpec((TN, D), lambda i: (i, 0))
    return pl.pallas_call(
        _node_pre_body,
        grid=grid,
        in_specs=[nblk, wspec, row, wspec, row, wspec, row,
                  row, row, row, row,
                  pl.BlockSpec((1, 1), lambda i: (0, 0))],
        out_specs=[nblk, nblk, nblk],
        out_shape=[jax.ShapeDtypeStruct((N, D), _f32),
                   jax.ShapeDtypeStruct((N, D), _f32),
                   jax.ShapeDtypeStruct((N, D), _f32)],
    )(h, Qw, Qb.reshape(1, D), Kw, Kb.reshape(1, D), Vw, Vb.reshape(1, D),
      g1.reshape(1, D), b1.reshape(1, D), ga.reshape(1, D), ba.reshape(1, D),
      temp.reshape(1, 1))


def _gather_qk_body(k_hbm, q_hbm, ei_hbm, qk_hbm, idx, ks, qs, sem):
    wid = lax.axis_index("s") * 2 + lax.axis_index("c")
    tile_base = wid * EPT_B

    def chunk(c, carry):
        base = pl.multiple_of(tile_base + c * CHUNK_B, 8)
        pltpu.sync_copy(ei_hbm.at[:, pl.ds(base, CHUNK_B)], idx)
        cp1 = pltpu.async_copy(k_hbm.at[idx.at[0]], ks, sem)
        cp2 = pltpu.async_copy(q_hbm.at[idx.at[1]], qs, sem)
        cp1.wait()
        cp2.wait()

        @plsc.parallel_loop(0, CHUNK_B, 1, unroll=4)
        def _(i):
            for v in range(D // 16):
                sl = pl.ds(v * 16, 16)
                qs[i, sl] = ks[i, sl] * qs[i, sl]
        pltpu.sync_copy(qs, qk_hbm.at[pl.ds(base, CHUNK_B)])
        return carry

    lax.fori_loop(0, NCH_B, chunk, 0)


def _gather_qk(kh, qh, edge_index):
    mesh = plsc.VectorSubcoreMesh(core_axis_name="c", subcore_axis_name="s")
    fn = pl.kernel(
        _gather_qk_body,
        out_type=jax.ShapeDtypeStruct((E, D), _f32),
        mesh=mesh,
        compiler_params=pltpu.CompilerParams(use_tc_tiling_on_sc=False),
        scratch_types=[pltpu.VMEM((2, CHUNK_B), jnp.int32),
                       pltpu.VMEM((CHUNK_B, D), _f32),
                       pltpu.VMEM((CHUNK_B, D), _f32),
                       pltpu.SemaphoreType.DMA],
    )
    return fn(kh, qh, edge_index)


def _edge_plp_body(e_ref, sp_ref, pew_ref, peb_ref, posw_ref, posb_ref,
                   pemb_ref, g1e_ref, b1e_ref, ga_ref, ba_ref, plp_ref):
    ga, ba = ga_ref[...], ba_ref[...]
    en_ = _ln(e_ref[...], g1e_ref[...], b1e_ref[...])
    pe = _ln(en_ @ pew_ref[...] + peb_ref[...], ga, ba)
    lp = _ln(sp_ref[...] @ posw_ref[...] + posb_ref[...] + pemb_ref[...], ga, ba)
    plp_ref[...] = pe + lp


def _edge_plp(e, sp, Pew, Peb, Posw, Posb, pos_emb, g1e, b1e, ga, ba):
    TE = 2000
    grid = (E // TE,)
    row = pl.BlockSpec((1, D), lambda i: (0, 0))
    wspec = pl.BlockSpec((D, D), lambda i: (0, 0))
    blk = pl.BlockSpec((TE, D), lambda i: (i, 0))
    return pl.pallas_call(
        _edge_plp_body,
        grid=grid,
        in_specs=[blk, blk, wspec, row, wspec, row, row, row, row, row, row],
        out_specs=blk,
        out_shape=jax.ShapeDtypeStruct((E, D), _f32),
    )(e, sp, Pew, Peb.reshape(1, D), Posw, Posb.reshape(1, D), pos_emb,
      g1e.reshape(1, D), b1e.reshape(1, D), ga.reshape(1, D), ba.reshape(1, D))


def _edge_score_body(e_ref, qk_ref, plp_ref, oew_ref, oeb_ref, gmat_ref,
                     s_ref, e2_ref):
    p = jnp.exp(jnp.clip(qk_ref[...] + plp_ref[...], -5.0, 5.0))
    denom = p @ gmat_ref[...]
    score = p / denom
    s_ref[...] = score
    e2_ref[...] = score @ oew_ref[...] + oeb_ref[...] + e_ref[...]


def _edge_score(e, qk, plp, Oew, Oeb):
    TE = 2000
    grid = (E // TE,)
    gmat = jnp.kron(jnp.eye(H, dtype=_f32), jnp.ones((DH, DH), dtype=_f32))
    row = pl.BlockSpec((1, D), lambda i: (0, 0))
    wspec = pl.BlockSpec((D, D), lambda i: (0, 0))
    blk = pl.BlockSpec((TE, D), lambda i: (i, 0))
    return pl.pallas_call(
        _edge_score_body,
        grid=grid,
        in_specs=[blk, blk, blk, wspec, row, wspec],
        out_specs=[blk, blk],
        out_shape=[jax.ShapeDtypeStruct((E, D), _f32),
                   jax.ShapeDtypeStruct((E, D), _f32)],
    )(e, qk, plp, Oew, Oeb.reshape(1, D), gmat)


def _edge_ffn_body(e2_ref, w1_ref, b1_ref, w2_ref, b2_ref, g2e_ref, b2e_ref,
                   eo_ref):
    e2 = e2_ref[...]
    en2 = _ln(e2, g2e_ref[...], b2e_ref[...])
    t = jnp.maximum(en2 @ w1_ref[...] + b1_ref[...], 0.0)
    eo_ref[...] = e2 + (t @ w2_ref[...] + b2_ref[...])


def _edge_ffn(e2, w1, b1, w2, b2, g2e, b2e):
    TE = 2000
    grid = (E // TE,)
    row = pl.BlockSpec((1, D), lambda i: (0, 0))
    blk = pl.BlockSpec((TE, D), lambda i: (i, 0))
    return pl.pallas_call(
        _edge_ffn_body,
        grid=grid,
        in_specs=[blk,
                  pl.BlockSpec((D, 4 * D), lambda i: (0, 0)),
                  pl.BlockSpec((1, 4 * D), lambda i: (0, 0)),
                  pl.BlockSpec((4 * D, D), lambda i: (0, 0)),
                  row, row, row],
        out_specs=blk,
        out_shape=jax.ShapeDtypeStruct((E, D), _f32),
    )(e2, w1, b1.reshape(1, 4 * D), w2, b2.reshape(1, D),
      g2e.reshape(1, D), b2e.reshape(1, D))


def _segsum(v, score, edge_index):
    mesh = plsc.VectorSubcoreMesh(core_axis_name="c", subcore_axis_name="s")
    fn = pl.kernel(
        _segsum_body,
        out_type=jax.ShapeDtypeStruct((2, N, D), _f32),
        mesh=mesh,
        compiler_params=pltpu.CompilerParams(use_tc_tiling_on_sc=False),
        scratch_types=[pltpu.VMEM_SHARED((N, D), _f32),
                       pltpu.VMEM((2, CHUNK_D), jnp.int32),
                       pltpu.VMEM((CHUNK_D, D), _f32),
                       pltpu.VMEM((CHUNK_D, D), _f32),
                       pltpu.SemaphoreType.DMA],
    )
    return fn(v, score, edge_index)


def _segsum_body(v_hbm, s_hbm, ei_hbm, acc_hbm, acc, idx, vs, scpay, sem):
    cid = lax.axis_index("c")
    sid = lax.axis_index("s")

    def zinit(i, carry):
        for j in range(D // 16):
            scpay[i, pl.ds(j * 16, 16)] = jnp.zeros((16,), _f32)
        return carry

    lax.fori_loop(0, CHUNK_D, zinit, 0)
    row0 = sid * NROW
    nz = NROW // CHUNK_D
    for b in range(nz):
        pltpu.sync_copy(scpay, acc.at[pl.ds(row0 + b * CHUNK_D, CHUNK_D)])
    rem = NROW - nz * CHUNK_D
    pltpu.sync_copy(scpay.at[pl.ds(0, rem)],
                    acc.at[pl.ds(row0 + nz * CHUNK_D, rem)])

    @pl.when(sid == 15)
    def _():
        pltpu.sync_copy(scpay, acc.at[pl.ds(row0 + NROW_LAST - CHUNK_D,
                                            CHUNK_D)])

    plsc.subcore_barrier()

    tile_base = sid * EPT_D

    def chunk(c, carry):
        base = pl.multiple_of(tile_base + c * CHUNK_D, 8)
        pltpu.sync_copy(ei_hbm.at[:, pl.ds(base, CHUNK_D)], idx)
        cp = pltpu.async_copy(v_hbm.at[idx.at[0]], vs, sem)
        pltpu.sync_copy(s_hbm.at[pl.ds(base, CHUNK_D)], scpay)
        cp.wait()

        def run_mul(soff):
            @plsc.parallel_loop(0, CHUNK_D, 1, unroll=4)
            def _(i):
                for v in range(HD2 // 16):
                    x = scpay[i, pl.ds(soff + v * 16, 16)]
                    scpay[i, pl.ds(v * 16, 16)] = (
                        vs[i, pl.ds(soff + v * 16, 16)] * x)
                    scpay[i, pl.ds(HD2 + v * 16, 16)] = x

        @pl.when(cid == 0)
        def _():
            run_mul(0)

        @pl.when(cid == 1)
        def _():
            run_mul(HD2)

        pltpu.sync_copy(scpay, acc.at[idx.at[1]], add=True)
        return carry

    lax.fori_loop(0, NCH_D, chunk, 0)
    plsc.subcore_barrier()

    @pl.when(sid < 15)
    def _():
        pltpu.sync_copy(acc.at[pl.ds(row0, NROW)],
                        acc_hbm.at[cid, pl.ds(row0, NROW)])

    @pl.when(sid == 15)
    def _():
        pltpu.sync_copy(acc.at[pl.ds(row0, NROW_LAST)],
                        acc_hbm.at[cid, pl.ds(row0, NROW_LAST)])


def _node_post_body(a0_ref, a1_ref, h_ref, ohw_ref, ohb_ref,
                    w1_ref, b1_ref, w2_ref, b2_ref, g2_ref, b2g_ref, ho_ref):
    a0 = a0_ref[0]
    a1 = a1_ref[0]
    wv = jnp.concatenate([a0[:, :HD2], a1[:, :HD2]], axis=1)
    z = jnp.concatenate([a0[:, HD2:], a1[:, HD2:]], axis=1)
    hout = wv / (z + 1e-6)
    h2 = hout @ ohw_ref[...] + ohb_ref[...] + h_ref[...]
    hn = _ln(h2, g2_ref[...], b2g_ref[...])
    t = jnp.maximum(hn @ w1_ref[...] + b1_ref[...], 0.0)
    ho_ref[...] = h2 + (t @ w2_ref[...] + b2_ref[...])


def _node_post(accs, h, Ohw, Ohb, w1, b1, w2, b2, g2, b2g):
    TN = 1000
    grid = (N // TN,)
    row = pl.BlockSpec((1, D), lambda i: (0, 0))
    return pl.pallas_call(
        _node_post_body,
        grid=grid,
        in_specs=[pl.BlockSpec((1, TN, D), lambda i: (0, i, 0)),
                  pl.BlockSpec((1, TN, D), lambda i: (1, i, 0)),
                  pl.BlockSpec((TN, D), lambda i: (i, 0)),
                  pl.BlockSpec((D, D), lambda i: (0, 0)), row,
                  pl.BlockSpec((D, 4 * D), lambda i: (0, 0)),
                  pl.BlockSpec((1, 4 * D), lambda i: (0, 0)),
                  pl.BlockSpec((4 * D, D), lambda i: (0, 0)), row,
                  row, row],
        out_specs=pl.BlockSpec((TN, D), lambda i: (i, 0)),
        out_shape=jax.ShapeDtypeStruct((N, D), _f32),
    )(accs, accs, h, Ohw, Ohb.reshape(1, D), w1, b1.reshape(1, 4 * D),
      w2, b2.reshape(1, D), g2.reshape(1, D), b2g.reshape(1, D))


def kernel(h, e, spatial_pos, edge_index, Qw, Qb, Kw, Kb, Vw, Vb, Pew, Peb,
           Posw, Posb, Ohw, Ohb, Oew, Oeb, ffnh_w1, ffnh_b1, ffnh_w2, ffnh_b2,
           ffne_w1, ffne_b1, ffne_w2, ffne_b2, pos_emb, temperature,
           ln_attn_g, ln_attn_b, ln1h_g, ln1h_b, ln1e_g, ln1e_b,
           ln2h_g, ln2h_b, ln2e_g, ln2e_b):
    qh, kh, vh = _node_pre(h, Qw, Qb, Kw, Kb, Vw, Vb,
                           ln1h_g, ln1h_b, ln_attn_g, ln_attn_b,
                           temperature)
    qk = _gather_qk(kh, qh, edge_index)
    plp = _edge_plp(e, spatial_pos, Pew, Peb, Posw, Posb, pos_emb,
                    ln1e_g, ln1e_b, ln_attn_g, ln_attn_b)
    score, e2 = _edge_score(e, qk, plp, Oew, Oeb)
    accs = _segsum(vh, score, edge_index)
    e_out = _edge_ffn(e2, ffne_w1, ffne_b1, ffne_w2, ffne_b2, ln2e_g, ln2e_b)
    h_out = _node_post(accs, h, Ohw, Ohb, ffnh_w1, ffnh_b1, ffnh_w2, ffnh_b2,
                       ln2h_g, ln2h_b)
    return (h_out, e_out)

# --- scband reference (transcript-rebuilt; emitter-appended) ---
"""Pipeline reference for scband-graph-transformer-layer-68461778698591 (READ-ONLY COPY).

The authoritative reference and input builder live on the scoring server;
editing this copy changes nothing except your own understanding.
"""

import jax, jax.numpy as jnp
import numpy as np

N, E, D, H = 10000, 320000, 128, 8
DH = D // H

def _ln(x, g, b):
    mu = jnp.mean(x, axis=-1, keepdims=True)
    var = jnp.mean((x - mu) ** 2, axis=-1, keepdims=True)
    return (x - mu) / jnp.sqrt(var + 1e-5) * g + b

def _lin(k, fi, fo):
    lim = 1.0 / np.sqrt(fi)
    return jax.random.uniform(k, (fi, fo), minval=-lim, maxval=lim, dtype=jnp.float32)

def setup_inputs(seed=0):
    key = jax.random.key(seed)
    ks = jax.random.split(key, 24)
    inp = {}
    inp['h'] = jax.random.normal(ks[0], (N, D), dtype=jnp.float32)
    inp['e'] = jax.random.normal(ks[1], (E, D), dtype=jnp.float32)
    inp['spatial_pos'] = jax.random.normal(ks[2], (E, D), dtype=jnp.float32)
    inp['edge_index'] = jax.random.randint(ks[3], (2, E), 0, N, dtype=jnp.int32)
    for i, n in enumerate(['Qw', 'Kw', 'Vw', 'Pew', 'Posw', 'Ohw', 'Oew']):
        inp[n] = _lin(ks[4 + i], D, D)
        inp[n[:-1] + 'b'] = jnp.zeros((D,), jnp.float32)
    inp['ffnh_w1'] = _lin(ks[11], D, 4 * D); inp['ffnh_b1'] = jnp.zeros((4 * D,), jnp.float32)
    inp['ffnh_w2'] = _lin(ks[12], 4 * D, D); inp['ffnh_b2'] = jnp.zeros((D,), jnp.float32)
    inp['ffne_w1'] = _lin(ks[13], D, 4 * D); inp['ffne_b1'] = jnp.zeros((4 * D,), jnp.float32)
    inp['ffne_w2'] = _lin(ks[14], 4 * D, D); inp['ffne_b2'] = jnp.zeros((D,), jnp.float32)
    inp['pos_emb'] = jax.random.normal(ks[15], (1, D), dtype=jnp.float32) * 0.1
    inp['temperature'] = jnp.ones((1,), jnp.float32)
    for n in ['ln_attn', 'ln1h', 'ln1e', 'ln2h', 'ln2e']:
        inp[n + '_g'] = jnp.ones((D,), jnp.float32)
        inp[n + '_b'] = jnp.zeros((D,), jnp.float32)
    return inp

def _fwd(p, edge_index):
    src, dst = edge_index[0], edge_index[1]
    h, e, sp = p['h'], p['e'], p['spatial_pos']
    h_norm = _ln(h, p['ln1h_g'], p['ln1h_b'])
    e_norm = _ln(e, p['ln1e_g'], p['ln1e_b'])
    g, b = p['ln_attn_g'], p['ln_attn_b']
    Qh = _ln(h_norm @ p['Qw'] + p['Qb'], g, b).reshape(-1, H, DH)
    Kh = _ln(h_norm @ p['Kw'] + p['Kb'], g, b).reshape(-1, H, DH)
    Vh = _ln(h_norm @ p['Vw'] + p['Vb'], g, b).reshape(-1, H, DH)
    pe = _ln(e_norm @ p['Pew'] + p['Peb'], g, b).reshape(-1, H, DH)
    lp = _ln(sp @ p['Posw'] + p['Posb'] + p['pos_emb'], g, b).reshape(-1, H, DH)
    score = Kh[src] * Qh[dst]
    score = score / (np.sqrt(DH) * p['temperature'])
    score = score + pe + lp
    score = jax.nn.softmax(jnp.clip(score, -5.0, 5.0), axis=-1)
    wV = jax.ops.segment_sum(Vh[src] * score, dst, num_segments=N)
    z = jax.ops.segment_sum(score, dst, num_segments=N)
    h_out = (wV / (z + 1e-6)).reshape(-1, D)
    e_out = score.reshape(-1, D)
    h2 = h_out @ p['Ohw'] + p['Ohb'] + h
    e2 = e_out @ p['Oew'] + p['Oeb'] + e
    hn = _ln(h2, p['ln2h_g'], p['ln2h_b'])
    en = _ln(e2, p['ln2e_g'], p['ln2e_b'])
    h3 = jax.nn.relu(hn @ p['ffnh_w1'] + p['ffnh_b1']) @ p['ffnh_w2'] + p['ffnh_b2']
    e3 = jax.nn.relu(en @ p['ffne_w1'] + p['ffne_b1']) @ p['ffne_w2'] + p['ffne_b2']
    return (h2 + h3, e2 + e3)

def reference(h, e, spatial_pos, edge_index,
              Qw, Qb, Kw, Kb, Vw, Vb, Pew, Peb, Posw, Posb, Ohw, Ohb, Oew, Oeb,
              ffnh_w1, ffnh_b1, ffnh_w2, ffnh_b2, ffne_w1, ffne_b1, ffne_w2, ffne_b2,
              pos_emb, temperature,
              ln_attn_g, ln_attn_b, ln1h_g, ln1h_b, ln1e_g, ln1e_b,
              ln2h_g, ln2h_b, ln2e_g, ln2e_b):
    inp = dict(locals())
    edge_index = inp.pop('edge_index')
    return _fwd(inp, edge_index)

if __name__ == "__main__":
    import jax
    _d = setup_inputs()
    print(jax.jit(kernel)(*tuple(_d.values())))

</pallas_src>

<mosaic_0001>
#map = affine_map<(d0, d1) -> (0, 0)>
#map1 = affine_map<(d0, d1) -> (0, 0, 0)>
module attributes {stable_mosaic.version = 14 : i64} {
  func.func @_segsum_body(%arg0: i32, %arg1: i32, %arg2: memref<10000x128xf32, #tpu.memory_space<hbm>>, %arg3: memref<320000x128xf32, #tpu.memory_space<hbm>>, %arg4: memref<2x320000xi32, #tpu.memory_space<hbm>>, %arg5: memref<2x10000x128xf32, #tpu.memory_space<hbm>>, %arg6: memref<10000x128xf32, #tpu.memory_space<vmem_shared>>, %arg7: memref<2x160xi32, #tpu.memory_space<vmem>>, %arg8: memref<160x128xf32, #tpu.memory_space<vmem>>, %arg9: memref<160x128xf32, #tpu.memory_space<vmem>>, %arg10: memref<!tpu.dma_semaphore, #tpu.memory_space<semaphore_mem>>) attributes {dimension_semantics = [#tpu.dimension_semantics<core_parallel>, #tpu.dimension_semantics<subcore_parallel>], iteration_bounds = array<i64: 2, 16>, scalar_prefetch = 0 : i64, scratch_operands = 5 : i64, tpu.core_type = #tpu.core_type<sc_vector_subcore>, window_params = [{transform_indices = #map}, {transform_indices = #map}, {transform_indices = #map}, {transform_indices = #map1}]} {
    %scan3A = arith.constant 0 : i32
    %scan3A_0 = arith.constant 0 : i32
    %scan3A_1 = arith.constant 160 : i32
    %scan3A_2 = arith.addi %scan3A_0, %scan3A_1 : i32
    %scan3A_3 = arith.constant 1 : i32
    scf.for %scan3A_33 = %scan3A_0 to %scan3A_2 step %scan3A_3  : i32 {
      %broadcast_in_dim3A = arith.constant 0.000000e+00 : f32
      %broadcast_in_dim3A_34 = vector.broadcast %broadcast_in_dim3A : f32 to vector<16xf32>
      %swap3A = arith.index_cast %scan3A_33 : i32 to index
      %swap3A_35 = arith.constant 0 : index
      %swap3A_36 = tpu.vector_load %arg9[%swap3A, %swap3A_35] {strides = array<i32>} : memref<160x128xf32, #tpu.memory_space<vmem>>, vector<1x16xf32>,
      %swap3A_37 = vector.shape_cast %swap3A_36 : vector<1x16xf32> to vector<16xf32>
      %swap3A_38 = vector.shape_cast %broadcast_in_dim3A_34 : vector<16xf32> to vector<1x16xf32>
      tpu.vector_store %arg9[%swap3A, %swap3A_35], %swap3A_38 {strides = array<i32>} : memref<160x128xf32, #tpu.memory_space<vmem>>, vector<1x16xf32>,
      %broadcast_in_dim3A_39 = arith.constant 0.000000e+00 : f32
      %broadcast_in_dim3A_40 = vector.broadcast %broadcast_in_dim3A_39 : f32 to vector<16xf32>
      %swap3A_41 = arith.index_cast %scan3A_33 : i32 to index
      %swap3A_42 = arith.constant 16 : index
      %swap3A_43 = tpu.vector_load %arg9[%swap3A_41, %swap3A_42] {strides = array<i32>} : memref<160x128xf32, #tpu.memory_space<vmem>>, vector<1x16xf32>,
      %swap3A_44 = vector.shape_cast %swap3A_43 : vector<1x16xf32> to vector<16xf32>
      %swap3A_45 = vector.shape_cast %broadcast_in_dim3A_40 : vector<16xf32> to vector<1x16xf32>
      tpu.vector_store %arg9[%swap3A_41, %swap3A_42], %swap3A_45 {strides = array<i32>} : memref<160x128xf32, #tpu.memory_space<vmem>>, vector<1x16xf32>,
      %broadcast_in_dim3A_46 = arith.constant 0.000000e+00 : f32
      %broadcast_in_dim3A_47 = vector.broadcast %broadcast_in_dim3A_46 : f32 to vector<16xf32>
      %swap3A_48 = arith.index_cast %scan3A_33 : i32 to index
      %swap3A_49 = arith.constant 32 : index
      %swap3A_50 = tpu.vector_load %arg9[%swap3A_48, %swap3A_49] {strides = array<i32>} : memref<160x128xf32, #tpu.memory_space<vmem>>, vector<1x16xf32>,
      %swap3A_51 = vector.shape_cast %swap3A_50 : vector<1x16xf32> to vector<16xf32>
      %swap3A_52 = vector.shape_cast %broadcast_in_dim3A_47 : vector<16xf32> to vector<1x16xf32>
      tpu.vector_store %arg9[%swap3A_48, %swap3A_49], %swap3A_52 {strides = array<i32>} : memref<160x128xf32, #tpu.memory_space<vmem>>, vector<1x16xf32>,
      %broadcast_in_dim3A_53 = arith.constant 0.000000e+00 : f32
      %broadcast_in_dim3A_54 = vector.broadcast %broadcast_in_dim3A_53 : f32 to vector<16xf32>
      %swap3A_55 = arith.index_cast %scan3A_33 : i32 to index
      %swap3A_56 = arith.constant 48 : index
      %swap3A_57 = tpu.vector_load %arg9[%swap3A_55, %swap3A_56] {strides = array<i32>} : memref<160x128xf32, #tpu.memory_space<vmem>>, vector<1x16xf32>,
      %swap3A_58 = vector.shape_cast %swap3A_57 : vector<1x16xf32> to vector<16xf32>
      %swap3A_59 = vector.shape_cast %broadcast_in_dim3A_54 : vector<16xf32> to vector<1x16xf32>
      tpu.vector_store %arg9[%swap3A_55, %swap3A_56], %swap3A_59 {strides = array<i32>} : memref<160x128xf32, #tpu.memory_space<vmem>>, vector<1x16xf32>,
      %broadcast_in_dim3A_60 = arith.constant 0.000000e+00 : f32
      %broadcast_in_dim3A_61 = vector.broadcast %broadcast_in_dim3A_60 : f32 to vector<16xf32>
      %swap3A_62 = arith.index_cast %scan3A_33 : i32 to index
      %swap3A_63 = arith.constant 64 : index
      %swap3A_64 = tpu.vector_load %arg9[%swap3A_62, %swap3A_63] {strides = array<i32>} : memref<160x128xf32, #tpu.memory_space<vmem>>, vector<1x16xf32>,
      %swap3A_65 = vector.shape_cast %swap3A_64 : vector<1x16xf32> to vector<16xf32>
      %swap3A_66 = vector.shape_cast %broadcast_in_dim3A_61 : vector<16xf32> to vector<1x16xf32>
      tpu.vector_store %arg9[%swap3A_62, %swap3A_63], %swap3A_66 {strides = array<i32>} : memref<160x128xf32, #tpu.memory_space<vmem>>, vector<1x16xf32>,
      %broadcast_in_dim3A_67 = arith.constant 0.000000e+00 : f32
      %broadcast_in_dim3A_68 = vector.broadcast %broadcast_in_dim3A_67 : f32 to vector<16xf32>
      %swap3A_69 = arith.index_cast %scan3A_33 : i32 to index
      %swap3A_70 = arith.constant 80 : index
      %swap3A_71 = tpu.vector_load %arg9[%swap3A_69, %swap3A_70] {strides = array<i32>} : memref<160x128xf32, #tpu.memory_space<vmem>>, vector<1x16xf32>,
      %swap3A_72 = vector.shape_cast %swap3A_71 : vector<1x16xf32> to vector<16xf32>
      %swap3A_73 = vector.shape_cast %broadcast_in_dim3A_68 : vector<16xf32> to vector<1x16xf32>
      tpu.vector_store %arg9[%swap3A_69, %swap3A_70], %swap3A_73 {strides = array<i32>} : memref<160x128xf32, #tpu.memory_space<vmem>>, vector<1x16xf32>,
      %broadcast_in_dim3A_74 = arith.constant 0.000000e+00 : f32
      %broadcast_in_dim3A_75 = vector.broadcast %broadcast_in_dim3A_74 : f32 to vector<16xf32>
      %swap3A_76 = arith.index_cast %scan3A_33 : i32 to index
      %swap3A_77 = arith.constant 96 : index
      %swap3A_78 = tpu.vector_load %arg9[%swap3A_76, %swap3A_77] {strides = array<i32>} : memref<160x128xf32, #tpu.memory_space<vmem>>, vector<1x16xf32>,
      %swap3A_79 = vector.shape_cast %swap3A_78 : vector<1x16xf32> to vector<16xf32>
      %swap3A_80 = vector.shape_cast %broadcast_in_dim3A_75 : vector<16xf32> to vector<1x16xf32>
      tpu.vector_store %arg9[%swap3A_76, %swap3A_77], %swap3A_80 {strides = array<i32>} : memref<160x128xf32, #tpu.memory_space<vmem>>, vector<1x16xf32>,
      %broadcast_in_dim3A_81 = arith.constant 0.000000e+00 : f32
      %broadcast_in_dim3A_82 = vector.broadcast %broadcast_in_dim3A_81 : f32 to vector<16xf32>
      %swap3A_83 = arith.index_cast %scan3A_33 : i32 to index
      %swap3A_84 = arith.constant 112 : index
      %swap3A_85 = tpu.vector_load %arg9[%swap3A_83, %swap3A_84] {strides = array<i32>} : memref<160x128xf32, #tpu.memory_space<vmem>>, vector<1x16xf32>,
      %swap3A_86 = vector.shape_cast %swap3A_85 : vector<1x16xf32> to vector<16xf32>
      %swap3A_87 = vector.shape_cast %broadcast_in_dim3A_82 : vector<16xf32> to vector<1x16xf32>
      tpu.vector_store %arg9[%swap3A_83, %swap3A_84], %swap3A_87 {strides = array<i32>} : memref<160x128xf32, #tpu.memory_space<vmem>>, vector<1x16xf32>,
    }
    %scan3A_4 = arith.constant 160 : i32
    %mul3A = arith.constant 624 : i32
    %mul3A_5 = arith.muli %arg1, %mul3A : i32
    %add3A = arith.constant 0 : i32
    %add3A_6 = arith.addi %mul3A_5, %add3A : i32
    "tpu.region"() ({
      %run_scoped3A = tpu.sem_alloc : memref<!tpu.dma_semaphore, #tpu.memory_space<semaphore_mem>>
      %dma_start3A = arith.constant 0 : i32
      %dma_start3A_33 = tpu.memref_slice %arg6[%add3A_6, %dma_start3A] : memref<10000x128xf32, #tpu.memory_space<vmem_shared>> -> memref<160x128xf32, #tpu.memory_space<vmem_shared>>
      %dma_start3A_34 = arith.constant 0 : i32
      %dma_start3A_35 = tpu.memref_slice %arg6[%add3A_6, %dma_start3A_34] : memref<10000x128xf32, #tpu.memory_space<vmem_shared>> -> memref<160x128xf32, #tpu.memory_space<vmem_shared>>
      tpu.enqueue_dma source(%arg9 : memref<160x128xf32, #tpu.memory_space<vmem>>) target(%dma_start3A_35 : memref<160x128xf32, #tpu.memory_space<vmem_shared>>) target_semaphore(%run_scoped3A : memref<!tpu.dma_semaphore, #tpu.memory_space<semaphore_mem>>)
      %dma_wait3A = arith.constant 0 : i32
      %dma_wait3A_36 = tpu.memref_slice %arg6[%add3A_6, %dma_wait3A] : memref<10000x128xf32, #tpu.memory_space<vmem_shared>> -> memref<160x128xf32, #tpu.memory_space<vmem_shared>>
      %dma_wait3A_37 = arith.constant 0 : i32
      %dma_wait3A_38 = tpu.memref_slice %arg6[%add3A_6, %dma_wait3A_37] : memref<10000x128xf32, #tpu.memory_space<vmem_shared>> -> memref<160x128xf32, #tpu.memory_space<vmem_shared>>
      tpu.wait_dma2 semaphore(%run_scoped3A : memref<!tpu.dma_semaphore, #tpu.memory_space<semaphore_mem>>) src(%arg9 : memref<160x128xf32, #tpu.memory_space<vmem>>) dst(%dma_wait3A_38 : memref<160x128xf32, #tpu.memory_space<vmem_shared>>)
      tpu.yield
    }) : () -> ()
    %add3A_7 = arith.constant 160 : i32
    %add3A_8 = arith.addi %mul3A_5, %add3A_7 : i32
    "tpu.region"() ({
      %run_scoped3A = tpu.sem_alloc : memref<!tpu.dma_semaphore, #tpu.memory_space<semaphore_mem>>
      %dma_start3A = arith.constant 0 : i32
      %dma_start3A_33 = tpu.memref_slice %arg6[%add3A_8, %dma_start3A] : memref<10000x128xf32, #tpu.memory_space<vmem_shared>> -> memref<160x128xf32, #tpu.memory_space<vmem_shared>>
      %dma_start3A_34 = arith.constant 0 : i32
      %dma_start3A_35 = tpu.memref_slice %arg6[%add3A_8, %dma_start3A_34] : memref<10000x128xf32, #tpu.memory_space<vmem_shared>> -> memref<160x128xf32, #tpu.memory_space<vmem_shared>>
      tpu.enqueue_dma source(%arg9 : memref<160x128xf32, #tpu.memory_space<vmem>>) target(%dma_start3A_35 : memref<160x128xf32, #tpu.memory_space<vmem_shared>>) target_semaphore(%run_scoped3A : memref<!tpu.dma_semaphore, #tpu.memory_space<semaphore_mem>>)
      %dma_wait3A = arith.constant 0 : i32
      %dma_wait3A_36 = tpu.memref_slice %arg6[%add3A_8, %dma_wait3A] : memref<10000x128xf32, #tpu.memory_space<vmem_shared>> -> memref<160x128xf32, #tpu.memory_space<vmem_shared>>
      %dma_wait3A_37 = arith.constant 0 : i32
      %dma_wait3A_38 = tpu.memref_slice %arg6[%add3A_8, %dma_wait3A_37] : memref<10000x128xf32, #tpu.memory_space<vmem_shared>> -> memref<160x128xf32, #tpu.memory_space<vmem_shared>>
      tpu.wait_dma2 semaphore(%run_scoped3A : memref<!tpu.dma_semaphore, #tpu.memory_space<semaphore_mem>>) src(%arg9 : memref<160x128xf32, #tpu.memory_space<vmem>>) dst(%dma_wait3A_38 : memref<160x128xf32, #tpu.memory_space<vmem_shared>>)
      tpu.yield
    }) : () -> ()
    %add3A_9 = arith.constant 320 : i32
    %add3A_10 = arith.addi %mul3A_5, %add3A_9 : i32
    "tpu.region"() ({
      %run_scoped3A = tpu.sem_alloc : memref<!tpu.dma_semaphore, #tpu.memory_space<semaphore_mem>>
      %dma_start3A = arith.constant 0 : i32
      %dma_start3A_33 = tpu.memref_slice %arg6[%add3A_10, %dma_start3A] : memref<10000x128xf32, #tpu.memory_space<vmem_shared>> -> memref<160x128xf32, #tpu.memory_space<vmem_shared>>
      %dma_start3A_34 = arith.constant 0 : i32
      %dma_start3A_35 = tpu.memref_slice %arg6[%add3A_10, %dma_start3A_34] : memref<10000x128xf32, #tpu.memory_space<vmem_shared>> -> memref<160x128xf32, #tpu.memory_space<vmem_shared>>
      tpu.enqueue_dma source(%arg9 : memref<160x128xf32, #tpu.memory_space<vmem>>) target(%dma_start3A_35 : memref<160x128xf32, #tpu.memory_space<vmem_shared>>) target_semaphore(%run_scoped3A : memref<!tpu.dma_semaphore, #tpu.memory_space<semaphore_mem>>)
      %dma_wait3A = arith.constant 0 : i32
      %dma_wait3A_36 = tpu.memref_slice %arg6[%add3A_10, %dma_wait3A] : memref<10000x128xf32, #tpu.memory_space<vmem_shared>> -> memref<160x128xf32, #tpu.memory_space<vmem_shared>>
      %dma_wait3A_37 = arith.constant 0 : i32
      %dma_wait3A_38 = tpu.memref_slice %arg6[%add3A_10, %dma_wait3A_37] : memref<10000x128xf32, #tpu.memory_space<vmem_shared>> -> memref<160x128xf32, #tpu.memory_space<vmem_shared>>
      tpu.wait_dma2 semaphore(%run_scoped3A : memref<!tpu.dma_semaphore, #tpu.memory_space<semaphore_mem>>) src(%arg9 : memref<160x128xf32, #tpu.memory_space<vmem>>) dst(%dma_wait3A_38 : memref<160x128xf32, #tpu.memory_space<vmem_shared>>)
      tpu.yield
    }) : () -> ()
    %add3A_11 = arith.constant 480 : i32
    %add3A_12 = arith.addi %mul3A_5, %add3A_11 : i32
    "tpu.region"() ({
      %run_scoped3A = tpu.sem_alloc : memref<!tpu.dma_semaphore, #tpu.memory_space<semaphore_mem>>
      %dma_start3A = arith.constant 0 : i32
      %dma_start3A_33 = arith.constant 0 : i32
      %dma_start3A_34 = tpu.memref_slice %arg9[%dma_start3A, %dma_start3A_33] : memref<160x128xf32, #tpu.memory_space<vmem>> -> memref<144x128xf32, #tpu.memory_space<vmem>>
      %dma_start3A_35 = arith.constant 0 : i32
      %dma_start3A_36 = tpu.memref_slice %arg6[%add3A_12, %dma_start3A_35] : memref<10000x128xf32, #tpu.memory_space<vmem_shared>> -> memref<144x128xf32, #tpu.memory_space<vmem_shared>>
      %dma_start3A_37 = arith.constant 0 : i32
      %dma_start3A_38 = tpu.memref_slice %arg6[%add3A_12, %dma_start3A_37] : memref<10000x128xf32, #tpu.memory_space<vmem_shared>> -> memref<144x128xf32, #tpu.memory_space<vmem_shared>>
      %dma_start3A_39 = arith.constant 0 : i32
      %dma_start3A_40 = arith.constant 0 : i32
      %dma_start3A_41 = tpu.memref_slice %arg9[%dma_start3A_39, %dma_start3A_40] : memref<160x128xf32, #tpu.memory_space<vmem>> -> memref<144x128xf32, #tpu.memory_space<vmem>>
      tpu.enqueue_dma source(%dma_start3A_41 : memref<144x128xf32, #tpu.memory_space<vmem>>) target(%dma_start3A_38 : memref<144x128xf32, #tpu.memory_space<vmem_shared>>) target_semaphore(%run_scoped3A : memref<!tpu.dma_semaphore, #tpu.memory_space<semaphore_mem>>)
      %dma_wait3A = arith.constant 0 : i32
      %dma_wait3A_42 = arith.constant 0 : i32
      %dma_wait3A_43 = tpu.memref_slice %arg9[%dma_wait3A, %dma_wait3A_42] : memref<160x128xf32, #tpu.memory_space<vmem>> -> memref<144x128xf32, #tpu.memory_space<vmem>>
      %dma_wait3A_44 = arith.constant 0 : i32
      %dma_wait3A_45 = tpu.memref_slice %arg6[%add3A_12, %dma_wait3A_44] : memref<10000x128xf32, #tpu.memory_space<vmem_shared>> -> memref<144x128xf32, #tpu.memory_space<vmem_shared>>
      %dma_wait3A_46 = arith.constant 0 : i32
      %dma_wait3A_47 = tpu.memref_slice %arg6[%add3A_12, %dma_wait3A_46] : memref<10000x128xf32, #tpu.memory_space<vmem_shared>> -> memref<144x128xf32, #tpu.memory_space<vmem_shared>>
      %dma_wait3A_48 = arith.constant 0 : i32
      %dma_wait3A_49 = arith.constant 0 : i32
      %dma_wait3A_50 = tpu.memref_slice %arg9[%dma_wait3A_48, %dma_wait3A_49] : memref<160x128xf32, #tpu.memory_space<vmem>> -> memref<144x128xf32, #tpu.memory_space<vmem>>
      tpu.wait_dma2 semaphore(%run_scoped3A : memref<!tpu.dma_semaphore, #tpu.memory_space<semaphore_mem>>) src(%dma_wait3A_50 : memref<144x128xf32, #tpu.memory_space<vmem>>) dst(%dma_wait3A_47 : memref<144x128xf32, #tpu.memory_space<vmem_shared>>)
      tpu.yield
    }) : () -> ()
    %eq3A = arith.constant 15 : i32
    %eq3A_13 = arith.cmpi eq, %arg1, %eq3A : i32
    %convert_element_type3A = arith.extui %eq3A_13 : i1 to i32
    %cond3A = arith.constant 0 : i32
    %cond3A_14 = arith.cmpi ne, %convert_element_type3A, %cond3A : i32
    scf.if %cond3A_14 {
      %add3A_33 = arith.constant 640 : i32
      %add3A_34 = arith.addi %mul3A_5, %add3A_33 : i32
      %sub3A = arith.constant 160 : i32
      %sub3A_35 = arith.subi %add3A_34, %sub3A : i32
      "tpu.region"() ({
        %run_scoped3A = tpu.sem_alloc : memref<!tpu.dma_semaphore, #tpu.memory_space<semaphore_mem>>
        %dma_start3A = arith.constant 0 : i32
        %dma_start3A_36 = tpu.memref_slice %arg6[%sub3A_35, %dma_start3A] : memref<10000x128xf32, #tpu.memory_space<vmem_shared>> -> memref<160x128xf32, #tpu.memory_space<vmem_shared>>
        %dma_start3A_37 = arith.constant 0 : i32
        %dma_start3A_38 = tpu.memref_slice %arg6[%sub3A_35, %dma_start3A_37] : memref<10000x128xf32, #tpu.memory_space<vmem_shared>> -> memref<160x128xf32, #tpu.memory_space<vmem_shared>>
        tpu.enqueue_dma source(%arg9 : memref<160x128xf32, #tpu.memory_space<vmem>>) target(%dma_start3A_38 : memref<160x128xf32, #tpu.memory_space<vmem_shared>>) target_semaphore(%run_scoped3A : memref<!tpu.dma_semaphore, #tpu.memory_space<semaphore_mem>>)
        %dma_wait3A = arith.constant 0 : i32
        %dma_wait3A_39 = tpu.memref_slice %arg6[%sub3A_35, %dma_wait3A] : memref<10000x128xf32, #tpu.memory_space<vmem_shared>> -> memref<160x128xf32, #tpu.memory_space<vmem_shared>>
        %dma_wait3A_40 = arith.constant 0 : i32
        %dma_wait3A_41 = tpu.memref_slice %arg6[%sub3A_35, %dma_wait3A_40] : memref<10000x128xf32, #tpu.memory_space<vmem_shared>> -> memref<160x128xf32, #tpu.memory_space<vmem_shared>>
        tpu.wait_dma2 semaphore(%run_scoped3A : memref<!tpu.dma_semaphore, #tpu.memory_space<semaphore_mem>>) src(%arg9 : memref<160x128xf32, #tpu.memory_space<vmem>>) dst(%dma_wait3A_41 : memref<160x128xf32, #tpu.memory_space<vmem_shared>>)
        tpu.yield
      }) : () -> ()
    } else {
    }
    %barrier3A = arith.constant 0 : index
    tpu.barrier barrier_id(%barrier3A)
    %mul3A_15 = arith.constant 20000 : i32
    %mul3A_16 = arith.muli %arg1, %mul3A_15 : i32
    %scan3A_17 = arith.constant 0 : i32
    %scan3A_18 = arith.constant 0 : i32
    %scan3A_19 = arith.constant 125 : i32
    %scan3A_20 = arith.addi %scan3A_18, %scan3A_19 : i32
    %scan3A_21 = arith.constant 1 : i32
    scf.for %scan3A_33 = %scan3A_18 to %scan3A_20 step %scan3A_21  : i32 {
      %mul3A_34 = arith.constant 160 : i32
      %mul3A_35 = arith.muli %scan3A_33, %mul3A_34 : i32
      %add3A_36 = arith.addi %mul3A_16, %mul3A_35 : i32
      %multiple_of3A = tpu.assume_multiple %add3A_36, 8 : i32
      "tpu.region"() ({
        %run_scoped3A_59 = tpu.sem_alloc : memref<!tpu.dma_semaphore, #tpu.memory_space<semaphore_mem>>
        %dma_start3A_60 = arith.constant 0 : i32
        %dma_start3A_61 = tpu.memref_slice %arg4[%dma_start3A_60, %multiple_of3A] : memref<2x320000xi32, #tpu.memory_space<hbm>> -> memref<2x160xi32, #tpu.memory_space<hbm>>
        %dma_start3A_62 = arith.constant 0 : i32
        %dma_start3A_63 = tpu.memref_slice %arg4[%dma_start3A_62, %multiple_of3A] : memref<2x320000xi32, #tpu.memory_space<hbm>> -> memref<2x160xi32, #tpu.memory_space<hbm>>
        tpu.enqueue_dma source(%dma_start3A_63 : memref<2x160xi32, #tpu.memory_space<hbm>>) target(%arg7 : memref<2x160xi32, #tpu.memory_space<vmem>>) target_semaphore(%run_scoped3A_59 : memref<!tpu.dma_semaphore, #tpu.memory_space<semaphore_mem>>)
        %dma_wait3A_64 = arith.constant 0 : i32
        %dma_wait3A_65 = tpu.memref_slice %arg4[%dma_wait3A_64, %multiple_of3A] : memref<2x320000xi32, #tpu.memory_space<hbm>> -> memref<2x160xi32, #tpu.memory_space<hbm>>
        %dma_wait3A_66 = arith.constant 0 : i32
        %dma_wait3A_67 = tpu.memref_slice %arg4[%dma_wait3A_66, %multiple_of3A] : memref<2x320000xi32, #tpu.memory_space<hbm>> -> memref<2x160xi32, #tpu.memory_space<hbm>>
        tpu.wait_dma2 semaphore(%run_scoped3A_59 : memref<!tpu.dma_semaphore, #tpu.memory_space<semaphore_mem>>) src(%dma_wait3A_67 : memref<2x160xi32, #tpu.memory_space<hbm>>) dst(%arg7 : memref<2x160xi32, #tpu.memory_space<vmem>>)
        tpu.yield
      }) : () -> ()
      %dma_start3A = arith.constant 0 : i32
      %dma_start3A_37 = arith.constant 0 : i32
      %dma_start3A_38 = tpu.memref_slice %arg7[%dma_start3A, %dma_start3A_37] : memref<2x160xi32, #tpu.memory_space<vmem>> -> memref<1x160xi32, #tpu.memory_space<vmem>>
      %dma_start3A_39 = tpu.memref_squeeze %dma_start3A_38 : memref<1x160xi32, #tpu.memory_space<vmem>> -> memref<160xi32, #tpu.memory_space<vmem>>
      %dma_start3A_40 = arith.constant 0 : i32
      %dma_start3A_41 = arith.constant 0 : i32
      %dma_start3A_42 = tpu.memref_slice %arg2[%dma_start3A_40, %dma_start3A_41] : memref<10000x128xf32, #tpu.memory_space<hbm>> -> memref<10000x128xf32, #tpu.memory_space<hbm>>
      tpu.enqueue_indirect_dma source(%dma_start3A_42 : memref<10000x128xf32, #tpu.memory_space<hbm>>) target(%arg8 : memref<160x128xf32, #tpu.memory_space<vmem>>) offsets(%dma_start3A_39 : memref<160xi32, #tpu.memory_space<vmem>>) semaphore(%arg10 : memref<!tpu.dma_semaphore, #tpu.memory_space<semaphore_mem>>)
      "tpu.region"() ({
        %run_scoped3A_59 = tpu.sem_alloc : memref<!tpu.dma_semaphore, #tpu.memory_space<semaphore_mem>>
        %dma_start3A_60 = arith.constant 0 : i32
        %dma_start3A_61 = tpu.memref_slice %arg3[%multiple_of3A, %dma_start3A_60] : memref<320000x128xf32, #tpu.memory_space<hbm>> -> memref<160x128xf32, #tpu.memory_space<hbm>>
        %dma_start3A_62 = arith.constant 0 : i32
        %dma_start3A_63 = tpu.memref_slice %arg3[%multiple_of3A, %dma_start3A_62] : memref<320000x128xf32, #tpu.memory_space<hbm>> -> memref<160x128xf32, #tpu.memory_space<hbm>>
        tpu.enqueue_dma source(%dma_start3A_63 : memref<160x128xf32, #tpu.memory_space<hbm>>) target(%arg9 : memref<160x128xf32, #tpu.memory_space<vmem>>) target_semaphore(%run_scoped3A_59 : memref<!tpu.dma_semaphore, #tpu.memory_space<semaphore_mem>>)
        %dma_wait3A_64 = arith.constant 0 : i32
        %dma_wait3A_65 = tpu.memref_slice %arg3[%multiple_of3A, %dma_wait3A_64] : memref<320000x128xf32, #tpu.memory_space<hbm>> -> memref<160x128xf32, #tpu.memory_space<hbm>>
        %dma_wait3A_66 = arith.constant 0 : i32
        %dma_wait3A_67 = tpu.memref_slice %arg3[%multiple_of3A, %dma_wait3A_66] : memref<320000x128xf32, #tpu.memory_space<hbm>> -> memref<160x128xf32, #tpu.memory_space<hbm>>
        tpu.wait_dma2 semaphore(%run_scoped3A_59 : memref<!tpu.dma_semaphore, #tpu.memory_space<semaphore_mem>>) src(%dma_wait3A_67 : memref<160x128xf32, #tpu.memory_space<hbm>>) dst(%arg9 : memref<160x128xf32, #tpu.memory_space<vmem>>)
        tpu.yield
      }) : () -> ()
      %dma_wait3A = arith.constant 0 : i32
      %dma_wait3A_43 = arith.constant 0 : i32
      %dma_wait3A_44 = tpu.memref_slice %arg7[%dma_wait3A, %dma_wait3A_43] : memref<2x160xi32, #tpu.memory_space<vmem>> -> memref<1x160xi32, #tpu.memory_space<vmem>>
      %dma_wait3A_45 = tpu.memref_squeeze %dma_wait3A_44 : memref<1x160xi32, #tpu.memory_space<vmem>> -> memref<160xi32, #tpu.memory_space<vmem>>
      %dma_wait3A_46 = arith.constant 0 : i32
      %dma_wait3A_47 = arith.constant 0 : i32
      %dma_wait3A_48 = tpu.memref_slice %arg2[%dma_wait3A_46, %dma_wait3A_47] : memref<10000x128xf32, #tpu.memory_space<hbm>> -> memref<10000x128xf32, #tpu.memory_space<hbm>>
      tpu.wait_indirect_dma semaphore(%arg10 : memref<!tpu.dma_semaphore, #tpu.memory_space<semaphore_mem>>) src(%dma_wait3A_48 : memref<10000x128xf32, #tpu.memory_space<hbm>>) dst(%arg8 : memref<160x128xf32, #tpu.memory_space<vmem>>)
      %eq3A_49 = arith.constant 0 : i32
      %eq3A_50 = arith.cmpi eq, %arg0, %eq3A_49 : i32
      %convert_element_type3A_51 = arith.extui %eq3A_50 : i1 to i32
      %cond3A_52 = arith.constant 0 : i32
      %cond3A_53 = arith.cmpi ne, %convert_element_type3A_51, %cond3A_52 : i32
      scf.if %cond3A_53 {
        %parallel_loop3A = arith.constant 0 : i32
        %parallel_loop3A_59 = arith.constant 160 : i32
        %parallel_loop3A_60 = arith.constant 1 : i32
        scf.for %parallel_loop3A_61 = %parallel_loop3A to %parallel_loop3A_59 step %parallel_loop3A_60  : i32 {
          %parallel_loop3A_62 = arith.index_cast %parallel_loop3A_61 : i32 to index
          %parallel_loop3A_63 = arith.constant 0 : index
          %parallel_loop3A_64 = tpu.vector_load %arg9[%parallel_loop3A_62, %parallel_loop3A_63] {strides = array<i32>} : memref<160x128xf32, #tpu.memory_space<vmem>>, vector<1x16xf32>,
          %parallel_loop3A_65 = vector.shape_cast %parallel_loop3A_64 : vector<1x16xf32> to vector<16xf32>
          %parallel_loop3A_66 = arith.index_cast %parallel_loop3A_61 : i32 to index
          %parallel_loop3A_67 = arith.constant 0 : index
          %parallel_loop3A_68 = tpu.vector_load %arg8[%parallel_loop3A_66, %parallel_loop3A_67] {strides = array<i32>} : memref<160x128xf32, #tpu.memory_space<vmem>>, vector<1x16xf32>,
          %parallel_loop3A_69 = vector.shape_cast %parallel_loop3A_68 : vector<1x16xf32> to vector<16xf32>
          %parallel_loop3A_70 = arith.mulf %parallel_loop3A_69, %parallel_loop3A_65 : vector<16xf32>
          %parallel_loop3A_71 = arith.index_cast %parallel_loop3A_61 : i32 to index
          %parallel_loop3A_72 = arith.constant 0 : index
          %parallel_loop3A_73 = tpu.vector_load %arg9[%parallel_loop3A_71, %parallel_loop3A_72] {strides = array<i32>} : memref<160x128xf32, #tpu.memory_space<vmem>>, vector<1x16xf32>,
          %parallel_loop3A_74 = vector.shape_cast %parallel_loop3A_73 : vector<1x16xf32> to vector<16xf32>
          %parallel_loop3A_75 = vector.shape_cast %parallel_loop3A_70 : vector<16xf32> to vector<1x16xf32>
          tpu.vector_store %arg9[%parallel_loop3A_71, %parallel_loop3A_72], %parallel_loop3A_75 {strides = array<i32>} : memref<160x128xf32, #tpu.memory_space<vmem>>, vector<1x16xf32>,
          %parallel_loop3A_76 = arith.index_cast %parallel_loop3A_61 : i32 to index
          %parallel_loop3A_77 = arith.constant 64 : index
          %parallel_loop3A_78 = tpu.vector_load %arg9[%parallel_loop3A_76, %parallel_loop3A_77] {strides = array<i32>} : memref<160x128xf32, #tpu.memory_space<vmem>>, vector<1x16xf32>,
          %parallel_loop3A_79 = vector.shape_cast %parallel_loop3A_78 : vector<1x16xf32> to vector<16xf32>
          %parallel_loop3A_80 = vector.shape_cast %parallel_loop3A_65 : vector<16xf32> to vector<1x16xf32>
          tpu.vector_store %arg9[%parallel_loop3A_76, %parallel_loop3A_77], %parallel_loop3A_80 {strides = array<i32>} : memref<160x128xf32, #tpu.memory_space<vmem>>, vector<1x16xf32>,
          %parallel_loop3A_81 = arith.index_cast %parallel_loop3A_61 : i32 to index
          %parallel_loop3A_82 = arith.constant 16 : index
          %parallel_loop3A_83 = tpu.vector_load %arg9[%parallel_loop3A_81, %parallel_loop3A_82] {strides = array<i32>} : memref<160x128xf32, #tpu.memory_space<vmem>>, vector<1x16xf32>,
          %parallel_loop3A_84 = vector.shape_cast %parallel_loop3A_83 : vector<1x16xf32> to vector<16xf32>
          %parallel_loop3A_85 = arith.index_cast %parallel_loop3A_61 : i32 to index
          %parallel_loop3A_86 = arith.constant 16 : index
          %parallel_loop3A_87 = tpu.vector_load %arg8[%parallel_loop3A_85, %parallel_loop3A_86] {strides = array<i32>} : memref<160x128xf32, #tpu.memory_space<vmem>>, vector<1x16xf32>,
          %parallel_loop3A_88 = vector.shape_cast %parallel_loop3A_87 : vector<1x16xf32> to vector<16xf32>
          %parallel_loop3A_89 = arith.mulf %parallel_loop3A_88, %parallel_loop3A_84 : vector<16xf32>
          %parallel_loop3A_90 = arith.index_cast %parallel_loop3A_61 : i32 to index
          %parallel_loop3A_91 = arith.constant 16 : index
          %parallel_loop3A_92 = tpu.vector_load %arg9[%parallel_loop3A_90, %parallel_loop3A_91] {strides = array<i32>} : memref<160x128xf32, #tpu.memory_space<vmem>>, vector<1x16xf32>,
          %parallel_loop3A_93 = vector.shape_cast %parallel_loop3A_92 : vector<1x16xf32> to vector<16xf32>
          %parallel_loop3A_94 = vector.shape_cast %parallel_loop3A_89 : vector<16xf32> to vector<1x16xf32>
          tpu.vector_store %arg9[%parallel_loop3A_90, %parallel_loop3A_91], %parallel_loop3A_94 {strides = array<i32>} : memref<160x128xf32, #tpu.memory_space<vmem>>, vector<1x16xf32>,
          %parallel_loop3A_95 = arith.index_cast %parallel_loop3A_61 : i32 to index
          %parallel_loop3A_96 = arith.constant 80 : index
          %parallel_loop3A_97 = tpu.vector_load %arg9[%parallel_loop3A_95, %parallel_loop3A_96] {strides = array<i32>} : memref<160x128xf32, #tpu.memory_space<vmem>>, vector<1x16xf32>,
          %parallel_loop3A_98 = vector.shape_cast %parallel_loop3A_97 : vector<1x16xf32> to vector<16xf32>
          %parallel_loop3A_99 = vector.shape_cast %parallel_loop3A_84 : vector<16xf32> to vector<1x16xf32>
          tpu.vector_store %arg9[%parallel_loop3A_95, %parallel_loop3A_96], %parallel_loop3A_99 {strides = array<i32>} : memref<160x128xf32, #tpu.memory_space<vmem>>, vector<1x16xf32>,
          %parallel_loop3A_100 = arith.index_cast %parallel_loop3A_61 : i32 to index
          %parallel_loop3A_101 = arith.constant 32 : index
          %parallel_loop3A_102 = tpu.vector_load %arg9[%parallel_loop3A_100, %parallel_loop3A_101] {strides = array<i32>} : memref<160x128xf32, #tpu.memory_space<vmem>>, vector<1x16xf32>,
          %parallel_loop3A_103 = vector.shape_cast %parallel_loop3A_102 : vector<1x16xf32> to vector<16xf32>
          %parallel_loop3A_104 = arith.index_cast %parallel_loop3A_61 : i32 to index
          %parallel_loop3A_105 = arith.constant 32 : index
          %parallel_loop3A_106 = tpu.vector_load %arg8[%parallel_loop3A_104, %parallel_loop3A_105] {strides = array<i32>} : memref<160x128xf32, #tpu.memory_space<vmem>>, vector<1x16xf32>,
          %parallel_loop3A_107 = vector.shape_cast %parallel_loop3A_106 : vector<1x16xf32> to vector<16xf32>
          %parallel_loop3A_108 = arith.mulf %parallel_loop3A_107, %parallel_loop3A_103 : vector<16xf32>
          %parallel_loop3A_109 = arith.index_cast %parallel_loop3A_61 : i32 to index
          %parallel_loop3A_110 = arith.constant 32 : index
          %parallel_loop3A_111 = tpu.vector_load %arg9[%parallel_loop3A_109, %parallel_loop3A_110] {strides = array<i32>} : memref<160x128xf32, #tpu.memory_space<vmem>>, vector<1x16xf32>,
          %parallel_loop3A_112 = vector.shape_cast %parallel_loop3A_111 : vector<1x16xf32> to vector<16xf32>
          %parallel_loop3A_113 = vector.shape_cast %parallel_loop3A_108 : vector<16xf32> to vector<1x16xf32>
          tpu.vector_store %arg9[%parallel_loop3A_109, %parallel_loop3A_110], %parallel_loop3A_113 {strides = array<i32>} : memref<160x128xf32, #tpu.memory_space<vmem>>, vector<1x16xf32>,
          %parallel_loop3A_114 = arith.index_cast %parallel_loop3A_61 : i32 to index
          %parallel_loop3A_115 = arith.constant 96 : index
          %parallel_loop3A_116 = tpu.vector_load %arg9[%parallel_loop3A_114, %parallel_loop3A_115] {strides = array<i32>} : memref<160x128xf32, #tpu.memory_space<vmem>>, vector<1x16xf32>,
          %parallel_loop3A_117 = vector.shape_cast %parallel_loop3A_116 : vector<1x16xf32> to vector<16xf32>
          %parallel_loop3A_118 = vector.shape_cast %parallel_loop3A_103 : vector<16xf32> to vector<1x16xf32>
          tpu.vector_store %arg9[%parallel_loop3A_114, %parallel_loop3A_115], %parallel_loop3A_118 {strides = array<i32>} : memref<160x128xf32, #tpu.memory_space<vmem>>, vector<1x16xf32>,
          %parallel_loop3A_119 = arith.index_cast %parallel_loop3A_61 : i32 to index
          %parallel_loop3A_120 = arith.constant 48 : index
          %parallel_loop3A_121 = tpu.vector_load %arg9[%parallel_loop3A_119, %parallel_loop3A_120] {strides = array<i32>} : memref<160x128xf32, #tpu.memory_space<vmem>>, vector<1x16xf32>,
          %parallel_loop3A_122 = vector.shape_cast %parallel_loop3A_121 : vector<1x16xf32> to vector<16xf32>
          %parallel_loop3A_123 = arith.index_cast %parallel_loop3A_61 : i32 to index
          %parallel_loop3A_124 = arith.constant 48 : index
          %parallel_loop3A_125 = tpu.vector_load %arg8[%parallel_loop3A_123, %parallel_loop3A_124] {strides = array<i32>} : memref<160x128xf32, #tpu.memory_space<vmem>>, vector<1x16xf32>,
          %parallel_loop3A_126 = vector.shape_cast %parallel_loop3A_125 : vector<1x16xf32> to vector<16xf32>
          %parallel_loop3A_127 = arith.mulf %parallel_loop3A_126, %parallel_loop3A_122 : vector<16xf32>
          %parallel_loop3A_128 = arith.index_cast %parallel_loop3A_61 : i32 to index
          %parallel_loop3A_129 = arith.constant 48 : index
          %parallel_loop3A_130 = tpu.vector_load %arg9[%parallel_loop3A_128, %parallel_loop3A_129] {strides = array<i32>} : memref<160x128xf32, #tpu.memory_space<vmem>>, vector<1x16xf32>,
          %parallel_loop3A_131 = vector.shape_cast %parallel_loop3A_130 : vector<1x16xf32> to vector<16xf32>
          %parallel_loop3A_132 = vector.shape_cast %parallel_loop3A_127 : vector<16xf32> to vector<1x16xf32>
          tpu.vector_store %arg9[%parallel_loop3A_128, %parallel_loop3A_129], %parallel_loop3A_132 {strides = array<i32>} : memref<160x128xf32, #tpu.memory_space<vmem>>, vector<1x16xf32>,
          %parallel_loop3A_133 = arith.index_cast %parallel_loop3A_61 : i32 to index
          %parallel_loop3A_134 = arith.constant 112 : index
          %parallel_loop3A_135 = tpu.vector_load %arg9[%parallel_loop3A_133, %parallel_loop3A_134] {strides = array<i32>} : memref<160x128xf32, #tpu.memory_space<vmem>>, vector<1x16xf32>,
          %parallel_loop3A_136 = vector.shape_cast %parallel_loop3A_135 : vector<1x16xf32> to vector<16xf32>
          %parallel_loop3A_137 = vector.shape_cast %parallel_loop3A_122 : vector<16xf32> to vector<1x16xf32>
          tpu.vector_store %arg9[%parallel_loop3A_133, %parallel_loop3A_134], %parallel_loop3A_137 {strides = array<i32>} : memref<160x128xf32, #tpu.memory_space<vmem>>, vector<1x16xf32>,
        } {sc.loop_unroll_factor = 4 : i64, sc.parallel_access}
      } else {
      }
      %eq3A_54 = arith.constant 1 : i32
      %eq3A_55 = arith.cmpi eq, %arg0, %eq3A_54 : i32
      %convert_element_type3A_56 = arith.extui %eq3A_55 : i1 to i32
      %cond3A_57 = arith.constant 0 : i32
      %cond3A_58 = arith.cmpi ne, %convert_element_type3A_56, %cond3A_57 : i32
      scf.if %cond3A_58 {
        %parallel_loop3A = arith.constant 0 : i32
        %parallel_loop3A_59 = arith.constant 160 : i32
        %parallel_loop3A_60 = arith.constant 1 : i32
        scf.for %parallel_loop3A_61 = %parallel_loop3A to %parallel_loop3A_59 step %parallel_loop3A_60  : i32 {
          %parallel_loop3A_62 = arith.index_cast %parallel_loop3A_61 : i32 to index
          %parallel_loop3A_63 = arith.constant 64 : index
          %parallel_loop3A_64 = tpu.vector_load %arg9[%parallel_loop3A_62, %parallel_loop3A_63] {strides = array<i32>} : memref<160x128xf32, #tpu.memory_space<vmem>>, vector<1x16xf32>,
          %parallel_loop3A_65 = vector.shape_cast %parallel_loop3A_64 : vector<1x16xf32> to vector<16xf32>
          %parallel_loop3A_66 = arith.index_cast %parallel_loop3A_61 : i32 to index
          %parallel_loop3A_67 = arith.constant 64 : index
          %parallel_loop3A_68 = tpu.vector_load %arg8[%parallel_loop3A_66, %parallel_loop3A_67] {strides = array<i32>} : memref<160x128xf32, #tpu.memory_space<vmem>>, vector<1x16xf32>,
          %parallel_loop3A_69 = vector.shape_cast %parallel_loop3A_68 : vector<1x16xf32> to vector<16xf32>
          %parallel_loop3A_70 = arith.mulf %parallel_loop3A_69, %parallel_loop3A_65 : vector<16xf32>
          %parallel_loop3A_71 = arith.index_cast %parallel_loop3A_61 : i32 to index
          %parallel_loop3A_72 = arith.constant 0 : index
          %parallel_loop3A_73 = tpu.vector_load %arg9[%parallel_loop3A_71, %parallel_loop3A_72] {strides = array<i32>} : memref<160x128xf32, #tpu.memory_space<vmem>>, vector<1x16xf32>,
          %parallel_loop3A_74 = vector.shape_cast %parallel_loop3A_73 : vector<1x16xf32> to vector<16xf32>
          %parallel_loop3A_75 = vector.shape_cast %parallel_loop3A_70 : vector<16xf32> to vector<1x16xf32>
          tpu.vector_store %arg9[%parallel_loop3A_71, %parallel_loop3A_72], %parallel_loop3A_75 {strides = array<i32>} : memref<160x128xf32, #tpu.memory_space<vmem>>, vector<1x16xf32>,
          %parallel_loop3A_76 = arith.index_cast %parallel_loop3A_61 : i32 to index
          %parallel_loop3A_77 = arith.constant 64 : index
          %parallel_loop3A_78 = tpu.vector_load %arg9[%parallel_loop3A_76, %parallel_loop3A_77] {strides = array<i32>} : memref<160x128xf32, #tpu.memory_space<vmem>>, vector<1x16xf32>,
          %parallel_loop3A_79 = vector.shape_cast %parallel_loop3A_78 : vector<1x16xf32> to vector<16xf32>
          %parallel_loop3A_80 = vector.shape_cast %parallel_loop3A_65 : vector<16xf32> to vector<1x16xf32>
          tpu.vector_store %arg9[%parallel_loop3A_76, %parallel_loop3A_77], %parallel_loop3A_80 {strides = array<i32>} : memref<160x128xf32, #tpu.memory_space<vmem>>, vector<1x16xf32>,
          %parallel_loop3A_81 = arith.index_cast %parallel_loop3A_61 : i32 to index
          %parallel_loop3A_82 = arith.constant 80 : index
          %parallel_loop3A_83 = tpu.vector_load %arg9[%parallel_loop3A_81, %parallel_loop3A_82] {strides = array<i32>} : memref<160x128xf32, #tpu.memory_space<vmem>>, vector<1x16xf32>,
          %parallel_loop3A_84 = vector.shape_cast %parallel_loop3A_83 : vector<1x16xf32> to vector<16xf32>
          %parallel_loop3A_85 = arith.index_cast %parallel_loop3A_61 : i32 to index
          %parallel_loop3A_86 = arith.constant 80 : index
          %parallel_loop3A_87 = tpu.vector_load %arg8[%parallel_loop3A_85, %parallel_loop3A_86] {strides = array<i32>} : memref<160x128xf32, #tpu.memory_space<vmem>>, vector<1x16xf32>,
          %parallel_loop3A_88 = vector.shape_cast %parallel_loop3A_87 : vector<1x16xf32> to vector<16xf32>
          %parallel_loop3A_89 = arith.mulf %parallel_loop3A_88, %parallel_loop3A_84 : vector<16xf32>
          %parallel_loop3A_90 = arith.index_cast %parallel_loop3A_61 : i32 to index
          %parallel_loop3A_91 = arith.constant 16 : index
          %parallel_loop3A_92 = tpu.vector_load %arg9[%parallel_loop3A_90, %parallel_loop3A_91] {strides = array<i32>} : memref<160x128xf32, #tpu.memory_space<vmem>>, vector<1x16xf32>,
          %parallel_loop3A_93 = vector.shape_cast %parallel_loop3A_92 : vector<1x16xf32> to vector<16xf32>
          %parallel_loop3A_94 = vector.shape_cast %parallel_loop3A_89 : vector<16xf32> to vector<1x16xf32>
          tpu.vector_store %arg9[%parallel_loop3A_90, %parallel_loop3A_91], %parallel_loop3A_94 {strides = array<i32>} : memref<160x128xf32, #tpu.memory_space<vmem>>, vector<1x16xf32>,
          %parallel_loop3A_95 = arith.index_cast %parallel_loop3A_61 : i32 to index
          %parallel_loop3A_96 = arith.constant 80 : index
          %parallel_loop3A_97 = tpu.vector_load %arg9[%parallel_loop3A_95, %parallel_loop3A_96] {strides = array<i32>} : memref<160x128xf32, #tpu.memory_space<vmem>>, vector<1x16xf32>,
          %parallel_loop3A_98 = vector.shape_cast %parallel_loop3A_97 : vector<1x16xf32> to vector<16xf32>
          %parallel_loop3A_99 = vector.shape_cast %parallel_loop3A_84 : vector<16xf32> to vector<1x16xf32>
          tpu.vector_store %arg9[%parallel_loop3A_95, %parallel_loop3A_96], %parallel_loop3A_99 {strides = array<i32>} : memref<160x128xf32, #tpu.memory_space<vmem>>, vector<1x16xf32>,
          %parallel_loop3A_100 = arith.index_cast %parallel_loop3A_61 : i32 to index
          %parallel_loop3A_101 = arith.constant 96 : index
          %parallel_loop3A_102 = tpu.vector_load %arg9[%parallel_loop3A_100, %parallel_loop3A_101] {strides = array<i32>} : memref<160x128xf32, #tpu.memory_space<vmem>>, vector<1x16xf32>,
          %parallel_loop3A_103 = vector.shape_cast %parallel_loop3A_102 : vector<1x16xf32> to vector<16xf32>
          %parallel_loop3A_104 = arith.index_cast %parallel_loop3A_61 : i32 to index
          %parallel_loop3A_105 = arith.constant 96 : index
          %parallel_loop3A_106 = tpu.vector_load %arg8[%parallel_loop3A_104, %parallel_loop3A_105] {strides = array<i32>} : memref<160x128xf32, #tpu.memory_space<vmem>>, vector<1x16xf32>,
          %parallel_loop3A_107 = vector.shape_cast %parallel_loop3A_106 : vector<1x16xf32> to vector<16xf32>
          %parallel_loop3A_108 = arith.mulf %parallel_loop3A_107, %parallel_loop3A_103 : vector<16xf32>
          %parallel_loop3A_109 = arith.index_cast %parallel_loop3A_61 : i32 to index
          %parallel_loop3A_110 = arith.constant 32 : index
          %parallel_loop3A_111 = tpu.vector_load %arg9[%parallel_loop3A_109, %parallel_loop3A_110] {strides = array<i32>} : memref<160x128xf32, #tpu.memory_space<vmem>>, vector<1x16xf32>,
          %parallel_loop3A_112 = vector.shape_cast %parallel_loop3A_111 : vector<1x16xf32> to vector<16xf32>
          %parallel_loop3A_113 = vector.shape_cast %parallel_loop3A_108 : vector<16xf32> to vector<1x16xf32>
          tpu.vector_store %arg9[%parallel_loop3A_109, %parallel_loop3A_110], %parallel_loop3A_113 {strides = array<i32>} : memref<160x128xf32, #tpu.memory_space<vmem>>, vector<1x16xf32>,
          %parallel_loop3A_114 = arith.index_cast %parallel_loop3A_61 : i32 to index
          %parallel_loop3A_115 = arith.constant 96 : index
          %parallel_loop3A_116 = tpu.vector_load %arg9[%parallel_loop3A_114, %parallel_loop3A_115] {strides = array<i32>} : memref<160x128xf32, #tpu.memory_space<vmem>>, vector<1x16xf32>,
          %parallel_loop3A_117 = vector.shape_cast %parallel_loop3A_116 : vector<1x16xf32> to vector<16xf32>
          %parallel_loop3A_118 = vector.shape_cast %parallel_loop3A_103 : vector<16xf32> to vector<1x16xf32>
          tpu.vector_store %arg9[%parallel_loop3A_114, %parallel_loop3A_115], %parallel_loop3A_118 {strides = array<i32>} : memref<160x128xf32, #tpu.memory_space<vmem>>, vector<1x16xf32>,
          %parallel_loop3A_119 = arith.index_cast %parallel_loop3A_61 : i32 to index
          %parallel_loop3A_120 = arith.constant 112 : index
          %parallel_loop3A_121 = tpu.vector_load %arg9[%parallel_loop3A_119, %parallel_loop3A_120] {strides = array<i32>} : memref<160x128xf32, #tpu.memory_space<vmem>>, vector<1x16xf32>,
          %parallel_loop3A_122 = vector.shape_cast %parallel_loop3A_121 : vector<1x16xf32> to vector<16xf32>
          %parallel_loop3A_123 = arith.index_cast %parallel_loop3A_61 : i32 to index
          %parallel_loop3A_124 = arith.constant 112 : index
          %parallel_loop3A_125 = tpu.vector_load %arg8[%parallel_loop3A_123, %parallel_loop3A_124] {strides = array<i32>} : memref<160x128xf32, #tpu.memory_space<vmem>>, vector<1x16xf32>,
          %parallel_loop3A_126 = vector.shape_cast %parallel_loop3A_125 : vector<1x16xf32> to vector<16xf32>
          %parallel_loop3A_127 = arith.mulf %parallel_loop3A_126, %parallel_loop3A_122 : vector<16xf32>
          %parallel_loop3A_128 = arith.index_cast %parallel_loop3A_61 : i32 to index
          %parallel_loop3A_129 = arith.constant 48 : index
          %parallel_loop3A_130 = tpu.vector_load %arg9[%parallel_loop3A_128, %parallel_loop3A_129] {strides = array<i32>} : memref<160x128xf32, #tpu.memory_space<vmem>>, vector<1x16xf32>,
          %parallel_loop3A_131 = vector.shape_cast %parallel_loop3A_130 : vector<1x16xf32> to vector<16xf32>
          %parallel_loop3A_132 = vector.shape_cast %parallel_loop3A_127 : vector<16xf32> to vector<1x16xf32>
          tpu.vector_store %arg9[%parallel_loop3A_128, %parallel_loop3A_129], %parallel_loop3A_132 {strides = array<i32>} : memref<160x128xf32, #tpu.memory_space<vmem>>, vector<1x16xf32>,
          %parallel_loop3A_133 = arith.index_cast %parallel_loop3A_61 : i32 to index
          %parallel_loop3A_134 = arith.constant 112 : index
          %parallel_loop3A_135 = tpu.vector_load %arg9[%parallel_loop3A_133, %parallel_loop3A_134] {strides = array<i32>} : memref<160x128xf32, #tpu.memory_space<vmem>>, vector<1x16xf32>,
          %parallel_loop3A_136 = vector.shape_cast %parallel_loop3A_135 : vector<1x16xf32> to vector<16xf32>
          %parallel_loop3A_137 = vector.shape_cast %parallel_loop3A_122 : vector<16xf32> to vector<1x16xf32>
          tpu.vector_store %arg9[%parallel_loop3A_133, %parallel_loop3A_134], %parallel_loop3A_137 {strides = array<i32>} : memref<160x128xf32, #tpu.memory_space<vmem>>, vector<1x16xf32>,
        } {sc.loop_unroll_factor = 4 : i64, sc.parallel_access}
      } else {
      }
      %run_scoped3A = arith.constant 1 : i32
      "tpu.region"() ({
        %run_scoped3A_59 = tpu.sem_alloc : memref<!tpu.dma_semaphore, #tpu.memory_space<semaphore_mem>>
        %dma_start3A_60 = arith.constant 0 : i32
        %dma_start3A_61 = tpu.memref_slice %arg7[%run_scoped3A, %dma_start3A_60] : memref<2x160xi32, #tpu.memory_space<vmem>> -> memref<1x160xi32, #tpu.memory_space<vmem>>
        %dma_start3A_62 = tpu.memref_squeeze %dma_start3A_61 : memref<1x160xi32, #tpu.memory_space<vmem>> -> memref<160xi32, #tpu.memory_space<vmem>>
        %dma_start3A_63 = arith.constant 0 : i32
        %dma_start3A_64 = arith.constant 0 : i32
        %dma_start3A_65 = tpu.memref_slice %arg6[%dma_start3A_63, %dma_start3A_64] : memref<10000x128xf32, #tpu.memory_space<vmem_shared>> -> memref<10000x128xf32, #tpu.memory_space<vmem_shared>>
        tpu.enqueue_indirect_dma source(%arg9 : memref<160x128xf32, #tpu.memory_space<vmem>>) target(%dma_start3A_65 : memref<10000x128xf32, #tpu.memory_space<vmem_shared>>) offsets(%dma_start3A_62 : memref<160xi32, #tpu.memory_space<vmem>>) semaphore(%run_scoped3A_59 : memref<!tpu.dma_semaphore, #tpu.memory_space<semaphore_mem>>) {add = true}
        %dma_wait3A_66 = arith.constant 0 : i32
        %dma_wait3A_67 = tpu.memref_slice %arg7[%run_scoped3A, %dma_wait3A_66] : memref<2x160xi32, #tpu.memory_space<vmem>> -> memref<1x160xi32, #tpu.memory_space<vmem>>
        %dma_wait3A_68 = tpu.memref_squeeze %dma_wait3A_67 : memref<1x160xi32, #tpu.memory_space<vmem>> -> memref<160xi32, #tpu.memory_space<vmem>>
        %dma_wait3A_69 = arith.constant 0 : i32
        %dma_wait3A_70 = arith.constant 0 : i32
        %dma_wait3A_71 = tpu.memref_slice %arg6[%dma_wait3A_69, %dma_wait3A_70] : memref<10000x128xf32, #tpu.memory_space<vmem_shared>> -> memref<10000x128xf32, #tpu.memory_space<vmem_shared>>
        tpu.wait_indirect_dma semaphore(%run_scoped3A_59 : memref<!tpu.dma_semaphore, #tpu.memory_space<semaphore_mem>>) src(%arg9 : memref<160x128xf32, #tpu.memory_space<vmem>>) dst(%dma_wait3A_71 : memref<10000x128xf32, #tpu.memory_space<vmem_shared>>)
        tpu.yield
      }) : () -> ()
    }
    %scan3A_22 = arith.constant 125 : i32
    %barrier3A_23 = arith.constant 0 : index
    tpu.barrier barrier_id(%barrier3A_23)
    %lt3A = arith.constant 15 : i32
    %lt3A_24 = arith.cmpi slt, %arg1, %lt3A : i32
    %convert_element_type3A_25 = arith.extui %lt3A_24 : i1 to i32
    %cond3A_26 = arith.constant 0 : i32
    %cond3A_27 = arith.cmpi ne, %convert_element_type3A_25, %cond3A_26 : i32
    scf.if %cond3A_27 {
      "tpu.region"() ({
        %run_scoped3A = tpu.sem_alloc : memref<!tpu.dma_semaphore, #tpu.memory_space<semaphore_mem>>
        %dma_start3A = arith.constant 0 : i32
        %dma_start3A_33 = tpu.memref_slice %arg5[%arg0, %mul3A_5, %dma_start3A] : memref<2x10000x128xf32, #tpu.memory_space<hbm>> -> memref<1x624x128xf32, #tpu.memory_space<hbm>>
        %dma_start3A_34 = tpu.memref_squeeze %dma_start3A_33 : memref<1x624x128xf32, #tpu.memory_space<hbm>> -> memref<624x128xf32, #tpu.memory_space<hbm>>
        %dma_start3A_35 = arith.constant 0 : i32
        %dma_start3A_36 = tpu.memref_slice %arg6[%mul3A_5, %dma_start3A_35] : memref<10000x128xf32, #tpu.memory_space<vmem_shared>> -> memref<624x128xf32, #tpu.memory_space<vmem_shared>>
        tpu.enqueue_dma source(%dma_start3A_36 : memref<624x128xf32, #tpu.memory_space<vmem_shared>>) target(%dma_start3A_34 : memref<624x128xf32, #tpu.memory_space<hbm>>) target_semaphore(%run_scoped3A : memref<!tpu.dma_semaphore, #tpu.memory_space<semaphore_mem>>)
        %dma_wait3A = arith.constant 0 : i32
        %dma_wait3A_37 = tpu.memref_slice %arg5[%arg0, %mul3A_5, %dma_wait3A] : memref<2x10000x128xf32, #tpu.memory_space<hbm>> -> memref<1x624x128xf32, #tpu.memory_space<hbm>>
        %dma_wait3A_38 = tpu.memref_squeeze %dma_wait3A_37 : memref<1x624x128xf32, #tpu.memory_space<hbm>> -> memref<624x128xf32, #tpu.memory_space<hbm>>
        %dma_wait3A_39 = arith.constant 0 : i32
        %dma_wait3A_40 = tpu.memref_slice %arg6[%mul3A_5, %dma_wait3A_39] : memref<10000x128xf32, #tpu.memory_space<vmem_shared>> -> memref<624x128xf32, #tpu.memory_space<vmem_shared>>
        tpu.wait_dma2 semaphore(%run_scoped3A : memref<!tpu.dma_semaphore, #tpu.memory_space<semaphore_mem>>) src(%dma_wait3A_40 : memref<624x128xf32, #tpu.memory_space<vmem_shared>>) dst(%dma_wait3A_38 : memref<624x128xf32, #tpu.memory_space<hbm>>)
        tpu.yield
      }) : () -> ()
    } else {
    }
    %eq3A_28 = arith.constant 15 : i32
    %eq3A_29 = arith.cmpi eq, %arg1, %eq3A_28 : i32
    %convert_element_type3A_30 = arith.extui %eq3A_29 : i1 to i32
    %cond3A_31 = arith.constant 0 : i32
    %cond3A_32 = arith.cmpi ne, %convert_element_type3A_30, %cond3A_31 : i32
    scf.if %cond3A_32 {
      "tpu.region"() ({
        %run_scoped3A = tpu.sem_alloc : memref<!tpu.dma_semaphore, #tpu.memory_space<semaphore_mem>>
        %dma_start3A = arith.constant 0 : i32
        %dma_start3A_33 = tpu.memref_slice %arg5[%arg0, %mul3A_5, %dma_start3A] : memref<2x10000x128xf32, #tpu.memory_space<hbm>> -> memref<1x640x128xf32, #tpu.memory_space<hbm>>
        %dma_start3A_34 = tpu.memref_squeeze %dma_start3A_33 : memref<1x640x128xf32, #tpu.memory_space<hbm>> -> memref<640x128xf32, #tpu.memory_space<hbm>>
        %dma_start3A_35 = arith.constant 0 : i32
        %dma_start3A_36 = tpu.memref_slice %arg6[%mul3A_5, %dma_start3A_35] : memref<10000x128xf32, #tpu.memory_space<vmem_shared>> -> memref<640x128xf32, #tpu.memory_space<vmem_shared>>
        tpu.enqueue_dma source(%dma_start3A_36 : memref<640x128xf32, #tpu.memory_space<vmem_shared>>) target(%dma_start3A_34 : memref<640x128xf32, #tpu.memory_space<hbm>>) target_semaphore(%run_scoped3A : memref<!tpu.dma_semaphore, #tpu.memory_space<semaphore_mem>>)
        %dma_wait3A = arith.constant 0 : i32
        %dma_wait3A_37 = tpu.memref_slice %arg5[%arg0, %mul3A_5, %dma_wait3A] : memref<2x10000x128xf32, #tpu.memory_space<hbm>> -> memref<1x640x128xf32, #tpu.memory_space<hbm>>
        %dma_wait3A_38 = tpu.memref_squeeze %dma_wait3A_37 : memref<1x640x128xf32, #tpu.memory_space<hbm>> -> memref<640x128xf32, #tpu.memory_space<hbm>>
        %dma_wait3A_39 = arith.constant 0 : i32
        %dma_wait3A_40 = tpu.memref_slice %arg6[%mul3A_5, %dma_wait3A_39] : memref<10000x128xf32, #tpu.memory_space<vmem_shared>> -> memref<640x128xf32, #tpu.memory_space<vmem_shared>>
        tpu.wait_dma2 semaphore(%run_scoped3A : memref<!tpu.dma_semaphore, #tpu.memory_space<semaphore_mem>>) src(%dma_wait3A_40 : memref<640x128xf32, #tpu.memory_space<vmem_shared>>) dst(%dma_wait3A_38 : memref<640x128xf32, #tpu.memory_space<hbm>>)
        tpu.yield
      }) : () -> ()
    } else {
    }
    return
  }
}

#map = affine_map<(d0, d1) -> (0, 0)>
module attributes {stable_mosaic.version = 14 : i64} {
  func.func @_gather_qk_body(%arg0: i32, %arg1: i32, %arg2: memref<10000x128xf32, #tpu.memory_space<hbm>>, %arg3: memref<10000x128xf32, #tpu.memory_space<hbm>>, %arg4: memref<2x320000xi32, #tpu.memory_space<hbm>>, %arg5: memref<320000x128xf32, #tpu.memory_space<hbm>>, %arg6: memref<2x400xi32, #tpu.memory_space<vmem>>, %arg7: memref<400x128xf32, #tpu.memory_space<vmem>>, %arg8: memref<400x128xf32, #tpu.memory_space<vmem>>, %arg9: memref<!tpu.dma_semaphore, #tpu.memory_space<semaphore_mem>>) attributes {dimension_semantics = [#tpu.dimension_semantics<core_parallel>, #tpu.dimension_semantics<subcore_parallel>], iteration_bounds = array<i64: 2, 16>, scalar_prefetch = 0 : i64, scratch_operands = 4 : i64, tpu.core_type = #tpu.core_type<sc_vector_subcore>, window_params = [{transform_indices = #map}, {transform_indices = #map}, {transform_indices = #map}, {transform_indices = #map}]} {
    %mul3A = arith.constant 2 : i32
    %mul3A_0 = arith.muli %arg1, %mul3A : i32
    %add3A = arith.addi %mul3A_0, %arg0 : i32
    %mul3A_1 = arith.constant 10000 : i32
    %mul3A_2 = arith.muli %add3A, %mul3A_1 : i32
    %scan3A = arith.constant 0 : i32
    %scan3A_3 = arith.constant 0 : i32
    %scan3A_4 = arith.constant 25 : i32
    %scan3A_5 = arith.addi %scan3A_3, %scan3A_4 : i32
    %scan3A_6 = arith.constant 1 : i32
    scf.for %scan3A_8 = %scan3A_3 to %scan3A_5 step %scan3A_6  : i32 {
      %mul3A_9 = arith.constant 400 : i32
      %mul3A_10 = arith.muli %scan3A_8, %mul3A_9 : i32
      %add3A_11 = arith.addi %mul3A_2, %mul3A_10 : i32
      %multiple_of3A = tpu.assume_multiple %add3A_11, 8 : i32
      "tpu.region"() ({
        %run_scoped3A = tpu.sem_alloc : memref<!tpu.dma_semaphore, #tpu.memory_space<semaphore_mem>>
        %dma_start3A_40 = arith.constant 0 : i32
        %dma_start3A_41 = tpu.memref_slice %arg4[%dma_start3A_40, %multiple_of3A] : memref<2x320000xi32, #tpu.memory_space<hbm>> -> memref<2x400xi32, #tpu.memory_space<hbm>>
        %dma_start3A_42 = arith.constant 0 : i32
        %dma_start3A_43 = tpu.memref_slice %arg4[%dma_start3A_42, %multiple_of3A] : memref<2x320000xi32, #tpu.memory_space<hbm>> -> memref<2x400xi32, #tpu.memory_space<hbm>>
        tpu.enqueue_dma source(%dma_start3A_43 : memref<2x400xi32, #tpu.memory_space<hbm>>) target(%arg6 : memref<2x400xi32, #tpu.memory_space<vmem>>) target_semaphore(%run_scoped3A : memref<!tpu.dma_semaphore, #tpu.memory_space<semaphore_mem>>)
        %dma_wait3A_44 = arith.constant 0 : i32
        %dma_wait3A_45 = tpu.memref_slice %arg4[%dma_wait3A_44, %multiple_of3A] : memref<2x320000xi32, #tpu.memory_space<hbm>> -> memref<2x400xi32, #tpu.memory_space<hbm>>
        %dma_wait3A_46 = arith.constant 0 : i32
        %dma_wait3A_47 = tpu.memref_slice %arg4[%dma_wait3A_46, %multiple_of3A] : memref<2x320000xi32, #tpu.memory_space<hbm>> -> memref<2x400xi32, #tpu.memory_space<hbm>>
        tpu.wait_dma2 semaphore(%run_scoped3A : memref<!tpu.dma_semaphore, #tpu.memory_space<semaphore_mem>>) src(%dma_wait3A_47 : memref<2x400xi32, #tpu.memory_space<hbm>>) dst(%arg6 : memref<2x400xi32, #tpu.memory_space<vmem>>)
        tpu.yield
      }) : () -> ()
      %dma_start3A = arith.constant 0 : i32
      %dma_start3A_12 = arith.constant 0 : i32
      %dma_start3A_13 = tpu.memref_slice %arg6[%dma_start3A, %dma_start3A_12] : memref<2x400xi32, #tpu.memory_space<vmem>> -> memref<1x400xi32, #tpu.memory_space<vmem>>
      %dma_start3A_14 = tpu.memref_squeeze %dma_start3A_13 : memref<1x400xi32, #tpu.memory_space<vmem>> -> memref<400xi32, #tpu.memory_space<vmem>>
      %dma_start3A_15 = arith.constant 0 : i32
      %dma_start3A_16 = arith.constant 0 : i32
      %dma_start3A_17 = tpu.memref_slice %arg2[%dma_start3A_15, %dma_start3A_16] : memref<10000x128xf32, #tpu.memory_space<hbm>> -> memref<10000x128xf32, #tpu.memory_space<hbm>>
      tpu.enqueue_indirect_dma source(%dma_start3A_17 : memref<10000x128xf32, #tpu.memory_space<hbm>>) target(%arg7 : memref<400x128xf32, #tpu.memory_space<vmem>>) offsets(%dma_start3A_14 : memref<400xi32, #tpu.memory_space<vmem>>) semaphore(%arg9 : memref<!tpu.dma_semaphore, #tpu.memory_space<semaphore_mem>>)
      %dma_start3A_18 = arith.constant 1 : i32
      %dma_start3A_19 = arith.constant 0 : i32
      %dma_start3A_20 = tpu.memref_slice %arg6[%dma_start3A_18, %dma_start3A_19] : memref<2x400xi32, #tpu.memory_space<vmem>> -> memref<1x400xi32, #tpu.memory_space<vmem>>
      %dma_start3A_21 = tpu.memref_squeeze %dma_start3A_20 : memref<1x400xi32, #tpu.memory_space<vmem>> -> memref<400xi32, #tpu.memory_space<vmem>>
      %dma_start3A_22 = arith.constant 0 : i32
      %dma_start3A_23 = arith.constant 0 : i32
      %dma_start3A_24 = tpu.memref_slice %arg3[%dma_start3A_22, %dma_start3A_23] : memref<10000x128xf32, #tpu.memory_space<hbm>> -> memref<10000x128xf32, #tpu.memory_space<hbm>>
      tpu.enqueue_indirect_dma source(%dma_start3A_24 : memref<10000x128xf32, #tpu.memory_space<hbm>>) target(%arg8 : memref<400x128xf32, #tpu.memory_space<vmem>>) offsets(%dma_start3A_21 : memref<400xi32, #tpu.memory_space<vmem>>) semaphore(%arg9 : memref<!tpu.dma_semaphore, #tpu.memory_space<semaphore_mem>>)
      %dma_wait3A = arith.constant 0 : i32
      %dma_wait3A_25 = arith.constant 0 : i32
      %dma_wait3A_26 = tpu.memref_slice %arg6[%dma_wait3A, %dma_wait3A_25] : memref<2x400xi32, #tpu.memory_space<vmem>> -> memref<1x400xi32, #tpu.memory_space<vmem>>
      %dma_wait3A_27 = tpu.memref_squeeze %dma_wait3A_26 : memref<1x400xi32, #tpu.memory_space<vmem>> -> memref<400xi32, #tpu.memory_space<vmem>>
      %dma_wait3A_28 = arith.constant 0 : i32
      %dma_wait3A_29 = arith.constant 0 : i32
      %dma_wait3A_30 = tpu.memref_slice %arg2[%dma_wait3A_28, %dma_wait3A_29] : memref<10000x128xf32, #tpu.memory_space<hbm>> -> memref<10000x128xf32, #tpu.memory_space<hbm>>
      tpu.wait_indirect_dma semaphore(%arg9 : memref<!tpu.dma_semaphore, #tpu.memory_space<semaphore_mem>>) src(%dma_wait3A_30 : memref<10000x128xf32, #tpu.memory_space<hbm>>) dst(%arg7 : memref<400x128xf32, #tpu.memory_space<vmem>>)
      %dma_wait3A_31 = arith.constant 1 : i32
      %dma_wait3A_32 = arith.constant 0 : i32
      %dma_wait3A_33 = tpu.memref_slice %arg6[%dma_wait3A_31, %dma_wait3A_32] : memref<2x400xi32, #tpu.memory_space<vmem>> -> memref<1x400xi32, #tpu.memory_space<vmem>>
      %dma_wait3A_34 = tpu.memref_squeeze %dma_wait3A_33 : memref<1x400xi32, #tpu.memory_space<vmem>> -> memref<400xi32, #tpu.memory_space<vmem>>
      %dma_wait3A_35 = arith.constant 0 : i32
      %dma_wait3A_36 = arith.constant 0 : i32
      %dma_wait3A_37 = tpu.memref_slice %arg3[%dma_wait3A_35, %dma_wait3A_36] : memref<10000x128xf32, #tpu.memory_space<hbm>> -> memref<10000x128xf32, #tpu.memory_space<hbm>>
      tpu.wait_indirect_dma semaphore(%arg9 : memref<!tpu.dma_semaphore, #tpu.memory_space<semaphore_mem>>) src(%dma_wait3A_37 : memref<10000x128xf32, #tpu.memory_space<hbm>>) dst(%arg8 : memref<400x128xf32, #tpu.memory_space<vmem>>)
      %parallel_loop3A = arith.constant 0 : i32
      %parallel_loop3A_38 = arith.constant 400 : i32
      %parallel_loop3A_39 = arith.constant 1 : i32
      scf.for %parallel_loop3A_40 = %parallel_loop3A to %parallel_loop3A_38 step %parallel_loop3A_39  : i32 {
        %parallel_loop3A_41 = arith.index_cast %parallel_loop3A_40 : i32 to index
        %parallel_loop3A_42 = arith.constant 0 : index
        %parallel_loop3A_43 = tpu.vector_load %arg7[%parallel_loop3A_41, %parallel_loop3A_42] {strides = array<i32>} : memref<400x128xf32, #tpu.memory_space<vmem>>, vector<1x16xf32>,
        %parallel_loop3A_44 = vector.shape_cast %parallel_loop3A_43 : vector<1x16xf32> to vector<16xf32>
        %parallel_loop3A_45 = arith.index_cast %parallel_loop3A_40 : i32 to index
        %parallel_loop3A_46 = arith.constant 0 : index
        %parallel_loop3A_47 = tpu.vector_load %arg8[%parallel_loop3A_45, %parallel_loop3A_46] {strides = array<i32>} : memref<400x128xf32, #tpu.memory_space<vmem>>, vector<1x16xf32>,
        %parallel_loop3A_48 = vector.shape_cast %parallel_loop3A_47 : vector<1x16xf32> to vector<16xf32>
        %parallel_loop3A_49 = arith.mulf %parallel_loop3A_44, %parallel_loop3A_48 : vector<16xf32>
        %parallel_loop3A_50 = arith.index_cast %parallel_loop3A_40 : i32 to index
        %parallel_loop3A_51 = arith.constant 0 : index
        %parallel_loop3A_52 = tpu.vector_load %arg8[%parallel_loop3A_50, %parallel_loop3A_51] {strides = array<i32>} : memref<400x128xf32, #tpu.memory_space<vmem>>, vector<1x16xf32>,
        %parallel_loop3A_53 = vector.shape_cast %parallel_loop3A_52 : vector<1x16xf32> to vector<16xf32>
        %parallel_loop3A_54 = vector.shape_cast %parallel_loop3A_49 : vector<16xf32> to vector<1x16xf32>
        tpu.vector_store %arg8[%parallel_loop3A_50, %parallel_loop3A_51], %parallel_loop3A_54 {strides = array<i32>} : memref<400x128xf32, #tpu.memory_space<vmem>>, vector<1x16xf32>,
        %parallel_loop3A_55 = arith.index_cast %parallel_loop3A_40 : i32 to index
        %parallel_loop3A_56 = arith.constant 16 : index
        %parallel_loop3A_57 = tpu.vector_load %arg7[%parallel_loop3A_55, %parallel_loop3A_56] {strides = array<i32>} : memref<400x128xf32, #tpu.memory_space<vmem>>, vector<1x16xf32>,
        %parallel_loop3A_58 = vector.shape_cast %parallel_loop3A_57 : vector<1x16xf32> to vector<16xf32>
        %parallel_loop3A_59 = arith.index_cast %parallel_loop3A_40 : i32 to index
        %parallel_loop3A_60 = arith.constant 16 : index
        %parallel_loop3A_61 = tpu.vector_load %arg8[%parallel_loop3A_59, %parallel_loop3A_60] {strides = array<i32>} : memref<400x128xf32, #tpu.memory_space<vmem>>, vector<1x16xf32>,
        %parallel_loop3A_62 = vector.shape_cast %parallel_loop3A_61 : vector<1x16xf32> to vector<16xf32>
        %parallel_loop3A_63 = arith.mulf %parallel_loop3A_58, %parallel_loop3A_62 : vector<16xf32>
        %parallel_loop3A_64 = arith.index_cast %parallel_loop3A_40 : i32 to index
        %parallel_loop3A_65 = arith.constant 16 : index
        %parallel_loop3A_66 = tpu.vector_load %arg8[%parallel_loop3A_64, %parallel_loop3A_65] {strides = array<i32>} : memref<400x128xf32, #tpu.memory_space<vmem>>, vector<1x16xf32>,
        %parallel_loop3A_67 = vector.shape_cast %parallel_loop3A_66 : vector<1x16xf32> to vector<16xf32>
        %parallel_loop3A_68 = vector.shape_cast %parallel_loop3A_63 : vector<16xf32> to vector<1x16xf32>
        tpu.vector_store %arg8[%parallel_loop3A_64, %parallel_loop3A_65], %parallel_loop3A_68 {strides = array<i32>} : memref<400x128xf32, #tpu.memory_space<vmem>>, vector<1x16xf32>,
        %parallel_loop3A_69 = arith.index_cast %parallel_loop3A_40 : i32 to index
        %parallel_loop3A_70 = arith.constant 32 : index
        %parallel_loop3A_71 = tpu.vector_load %arg7[%parallel_loop3A_69, %parallel_loop3A_70] {strides = array<i32>} : memref<400x128xf32, #tpu.memory_space<vmem>>, vector<1x16xf32>,
        %parallel_loop3A_72 = vector.shape_cast %parallel_loop3A_71 : vector<1x16xf32> to vector<16xf32>
        %parallel_loop3A_73 = arith.index_cast %parallel_loop3A_40 : i32 to index
        %parallel_loop3A_74 = arith.constant 32 : index
        %parallel_loop3A_75 = tpu.vector_load %arg8[%parallel_loop3A_73, %parallel_loop3A_74] {strides = array<i32>} : memref<400x128xf32, #tpu.memory_space<vmem>>, vector<1x16xf32>,
        %parallel_loop3A_76 = vector.shape_cast %parallel_loop3A_75 : vector<1x16xf32> to vector<16xf32>
        %parallel_loop3A_77 = arith.mulf %parallel_loop3A_72, %parallel_loop3A_76 : vector<16xf32>
        %parallel_loop3A_78 = arith.index_cast %parallel_loop3A_40 : i32 to index
        %parallel_loop3A_79 = arith.constant 32 : index
        %parallel_loop3A_80 = tpu.vector_load %arg8[%parallel_loop3A_78, %parallel_loop3A_79] {strides = array<i32>} : memref<400x128xf32, #tpu.memory_space<vmem>>, vector<1x16xf32>,
        %parallel_loop3A_81 = vector.shape_cast %parallel_loop3A_80 : vector<1x16xf32> to vector<16xf32>
        %parallel_loop3A_82 = vector.shape_cast %parallel_loop3A_77 : vector<16xf32> to vector<1x16xf32>
        tpu.vector_store %arg8[%parallel_loop3A_78, %parallel_loop3A_79], %parallel_loop3A_82 {strides = array<i32>} : memref<400x128xf32, #tpu.memory_space<vmem>>, vector<1x16xf32>,
        %parallel_loop3A_83 = arith.index_cast %parallel_loop3A_40 : i32 to index
        %parallel_loop3A_84 = arith.constant 48 : index
        %parallel_loop3A_85 = tpu.vector_load %arg7[%parallel_loop3A_83, %parallel_loop3A_84] {strides = array<i32>} : memref<400x128xf32, #tpu.memory_space<vmem>>, vector<1x16xf32>,
        %parallel_loop3A_86 = vector.shape_cast %parallel_loop3A_85 : vector<1x16xf32> to vector<16xf32>
        %parallel_loop3A_87 = arith.index_cast %parallel_loop3A_40 : i32 to index
        %parallel_loop3A_88 = arith.constant 48 : index
        %parallel_loop3A_89 = tpu.vector_load %arg8[%parallel_loop3A_87, %parallel_loop3A_88] {strides = array<i32>} : memref<400x128xf32, #tpu.memory_space<vmem>>, vector<1x16xf32>,
        %parallel_loop3A_90 = vector.shape_cast %parallel_loop3A_89 : vector<1x16xf32> to vector<16xf32>
        %parallel_loop3A_91 = arith.mulf %parallel_loop3A_86, %parallel_loop3A_90 : vector<16xf32>
        %parallel_loop3A_92 = arith.index_cast %parallel_loop3A_40 : i32 to index
        %parallel_loop3A_93 = arith.constant 48 : index
        %parallel_loop3A_94 = tpu.vector_load %arg8[%parallel_loop3A_92, %parallel_loop3A_93] {strides = array<i32>} : memref<400x128xf32, #tpu.memory_space<vmem>>, vector<1x16xf32>,
        %parallel_loop3A_95 = vector.shape_cast %parallel_loop3A_94 : vector<1x16xf32> to vector<16xf32>
        %parallel_loop3A_96 = vector.shape_cast %parallel_loop3A_91 : vector<16xf32> to vector<1x16xf32>
        tpu.vector_store %arg8[%parallel_loop3A_92, %parallel_loop3A_93], %parallel_loop3A_96 {strides = array<i32>} : memref<400x128xf32, #tpu.memory_space<vmem>>, vector<1x16xf32>,
        %parallel_loop3A_97 = arith.index_cast %parallel_loop3A_40 : i32 to index
        %parallel_loop3A_98 = arith.constant 64 : index
        %parallel_loop3A_99 = tpu.vector_load %arg7[%parallel_loop3A_97, %parallel_loop3A_98] {strides = array<i32>} : memref<400x128xf32, #tpu.memory_space<vmem>>, vector<1x16xf32>,
        %parallel_loop3A_100 = vector.shape_cast %parallel_loop3A_99 : vector<1x16xf32> to vector<16xf32>
        %parallel_loop3A_101 = arith.index_cast %parallel_loop3A_40 : i32 to index
        %parallel_loop3A_102 = arith.constant 64 : index
        %parallel_loop3A_103 = tpu.vector_load %arg8[%parallel_loop3A_101, %parallel_loop3A_102] {strides = array<i32>} : memref<400x128xf32, #tpu.memory_space<vmem>>, vector<1x16xf32>,
        %parallel_loop3A_104 = vector.shape_cast %parallel_loop3A_103 : vector<1x16xf32> to vector<16xf32>
        %parallel_loop3A_105 = arith.mulf %parallel_loop3A_100, %parallel_loop3A_104 : vector<16xf32>
        %parallel_loop3A_106 = arith.index_cast %parallel_loop3A_40 : i32 to index
        %parallel_loop3A_107 = arith.constant 64 : index
        %parallel_loop3A_108 = tpu.vector_load %arg8[%parallel_loop3A_106, %parallel_loop3A_107] {strides = array<i32>} : memref<400x128xf32, #tpu.memory_space<vmem>>, vector<1x16xf32>,
        %parallel_loop3A_109 = vector.shape_cast %parallel_loop3A_108 : vector<1x16xf32> to vector<16xf32>
        %parallel_loop3A_110 = vector.shape_cast %parallel_loop3A_105 : vector<16xf32> to vector<1x16xf32>
        tpu.vector_store %arg8[%parallel_loop3A_106, %parallel_loop3A_107], %parallel_loop3A_110 {strides = array<i32>} : memref<400x128xf32, #tpu.memory_space<vmem>>, vector<1x16xf32>,
        %parallel_loop3A_111 = arith.index_cast %parallel_loop3A_40 : i32 to index
        %parallel_loop3A_112 = arith.constant 80 : index
        %parallel_loop3A_113 = tpu.vector_load %arg7[%parallel_loop3A_111, %parallel_loop3A_112] {strides = array<i32>} : memref<400x128xf32, #tpu.memory_space<vmem>>, vector<1x16xf32>,
        %parallel_loop3A_114 = vector.shape_cast %parallel_loop3A_113 : vector<1x16xf32> to vector<16xf32>
        %parallel_loop3A_115 = arith.index_cast %parallel_loop3A_40 : i32 to index
        %parallel_loop3A_116 = arith.constant 80 : index
        %parallel_loop3A_117 = tpu.vector_load %arg8[%parallel_loop3A_115, %parallel_loop3A_116] {strides = array<i32>} : memref<400x128xf32, #tpu.memory_space<vmem>>, vector<1x16xf32>,
        %parallel_loop3A_118 = vector.shape_cast %parallel_loop3A_117 : vector<1x16xf32> to vector<16xf32>
        %parallel_loop3A_119 = arith.mulf %parallel_loop3A_114, %parallel_loop3A_118 : vector<16xf32>
        %parallel_loop3A_120 = arith.index_cast %parallel_loop3A_40 : i32 to index
        %parallel_loop3A_121 = arith.constant 80 : index
        %parallel_loop3A_122 = tpu.vector_load %arg8[%parallel_loop3A_120, %parallel_loop3A_121] {strides = array<i32>} : memref<400x128xf32, #tpu.memory_space<vmem>>, vector<1x16xf32>,
        %parallel_loop3A_123 = vector.shape_cast %parallel_loop3A_122 : vector<1x16xf32> to vector<16xf32>
        %parallel_loop3A_124 = vector.shape_cast %parallel_loop3A_119 : vector<16xf32> to vector<1x16xf32>
        tpu.vector_store %arg8[%parallel_loop3A_120, %parallel_loop3A_121], %parallel_loop3A_124 {strides = array<i32>} : memref<400x128xf32, #tpu.memory_space<vmem>>, vector<1x16xf32>,
        %parallel_loop3A_125 = arith.index_cast %parallel_loop3A_40 : i32 to index
        %parallel_loop3A_126 = arith.constant 96 : index
        %parallel_loop3A_127 = tpu.vector_load %arg7[%parallel_loop3A_125, %parallel_loop3A_126] {strides = array<i32>} : memref<400x128xf32, #tpu.memory_space<vmem>>, vector<1x16xf32>,
        %parallel_loop3A_128 = vector.shape_cast %parallel_loop3A_127 : vector<1x16xf32> to vector<16xf32>
        %parallel_loop3A_129 = arith.index_cast %parallel_loop3A_40 : i32 to index
        %parallel_loop3A_130 = arith.constant 96 : index
        %parallel_loop3A_131 = tpu.vector_load %arg8[%parallel_loop3A_129, %parallel_loop3A_130] {strides = array<i32>} : memref<400x128xf32, #tpu.memory_space<vmem>>, vector<1x16xf32>,
        %parallel_loop3A_132 = vector.shape_cast %parallel_loop3A_131 : vector<1x16xf32> to vector<16xf32>
        %parallel_loop3A_133 = arith.mulf %parallel_loop3A_128, %parallel_loop3A_132 : vector<16xf32>
        %parallel_loop3A_134 = arith.index_cast %parallel_loop3A_40 : i32 to index
        %parallel_loop3A_135 = arith.constant 96 : index
        %parallel_loop3A_136 = tpu.vector_load %arg8[%parallel_loop3A_134, %parallel_loop3A_135] {strides = array<i32>} : memref<400x128xf32, #tpu.memory_space<vmem>>, vector<1x16xf32>,
        %parallel_loop3A_137 = vector.shape_cast %parallel_loop3A_136 : vector<1x16xf32> to vector<16xf32>
        %parallel_loop3A_138 = vector.shape_cast %parallel_loop3A_133 : vector<16xf32> to vector<1x16xf32>
        tpu.vector_store %arg8[%parallel_loop3A_134, %parallel_loop3A_135], %parallel_loop3A_138 {strides = array<i32>} : memref<400x128xf32, #tpu.memory_space<vmem>>, vector<1x16xf32>,
        %parallel_loop3A_139 = arith.index_cast %parallel_loop3A_40 : i32 to index
        %parallel_loop3A_140 = arith.constant 112 : index
        %parallel_loop3A_141 = tpu.vector_load %arg7[%parallel_loop3A_139, %parallel_loop3A_140] {strides = array<i32>} : memref<400x128xf32, #tpu.memory_space<vmem>>, vector<1x16xf32>,
        %parallel_loop3A_142 = vector.shape_cast %parallel_loop3A_141 : vector<1x16xf32> to vector<16xf32>
        %parallel_loop3A_143 = arith.index_cast %parallel_loop3A_40 : i32 to index
        %parallel_loop3A_144 = arith.constant 112 : index
        %parallel_loop3A_145 = tpu.vector_load %arg8[%parallel_loop3A_143, %parallel_loop3A_144] {strides = array<i32>} : memref<400x128xf32, #tpu.memory_space<vmem>>, vector<1x16xf32>,
        %parallel_loop3A_146 = vector.shape_cast %parallel_loop3A_145 : vector<1x16xf32> to vector<16xf32>
        %parallel_loop3A_147 = arith.mulf %parallel_loop3A_142, %parallel_loop3A_146 : vector<16xf32>
        %parallel_loop3A_148 = arith.index_cast %parallel_loop3A_40 : i32 to index
        %parallel_loop3A_149 = arith.constant 112 : index
        %parallel_loop3A_150 = tpu.vector_load %arg8[%parallel_loop3A_148, %parallel_loop3A_149] {strides = array<i32>} : memref<400x128xf32, #tpu.memory_space<vmem>>, vector<1x16xf32>,
        %parallel_loop3A_151 = vector.shape_cast %parallel_loop3A_150 : vector<1x16xf32> to vector<16xf32>
        %parallel_loop3A_152 = vector.shape_cast %parallel_loop3A_147 : vector<16xf32> to vector<1x16xf32>
        tpu.vector_store %arg8[%parallel_loop3A_148, %parallel_loop3A_149], %parallel_loop3A_152 {strides = array<i32>} : memref<400x128xf32, #tpu.memory_space<vmem>>, vector<1x16xf32>,
      } {sc.loop_unroll_factor = 4 : i64, sc.parallel_access}
      "tpu.region"() ({
        %run_scoped3A = tpu.sem_alloc : memref<!tpu.dma_semaphore, #tpu.memory_space<semaphore_mem>>
        %dma_start3A_40 = arith.constant 0 : i32
        %dma_start3A_41 = tpu.memref_slice %arg5[%multiple_of3A, %dma_start3A_40] : memref<320000x128xf32, #tpu.memory_space<hbm>> -> memref<400x128xf32, #tpu.memory_space<hbm>>
        %dma_start3A_42 = arith.constant 0 : i32
        %dma_start3A_43 = tpu.memref_slice %arg5[%multiple_of3A, %dma_start3A_42] : memref<320000x128xf32, #tpu.memory_space<hbm>> -> memref<400x128xf32, #tpu.memory_space<hbm>>
        tpu.enqueue_dma source(%arg8 : memref<400x128xf32, #tpu.memory_space<vmem>>) target(%dma_start3A_43 : memref<400x128xf32, #tpu.memory_space<hbm>>) target_semaphore(%run_scoped3A : memref<!tpu.dma_semaphore, #tpu.memory_space<semaphore_mem>>)
        %dma_wait3A_44 = arith.constant 0 : i32
        %dma_wait3A_45 = tpu.memref_slice %arg5[%multiple_of3A, %dma_wait3A_44] : memref<320000x128xf32, #tpu.memory_space<hbm>> -> memref<400x128xf32, #tpu.memory_space<hbm>>
        %dma_wait3A_46 = arith.constant 0 : i32
        %dma_wait3A_47 = tpu.memref_slice %arg5[%multiple_of3A, %dma_wait3A_46] : memref<320000x128xf32, #tpu.memory_space<hbm>> -> memref<400x128xf32, #tpu.memory_space<hbm>>
        tpu.wait_dma2 semaphore(%run_scoped3A : memref<!tpu.dma_semaphore, #tpu.memory_space<semaphore_mem>>) src(%arg8 : memref<400x128xf32, #tpu.memory_space<vmem>>) dst(%dma_wait3A_47 : memref<400x128xf32, #tpu.memory_space<hbm>>)
        tpu.yield
      }) : () -> ()
    }
    %scan3A_7 = arith.constant 25 : i32
    return
  }
}

module attributes {stable_mosaic.version = 14 : i64} {
  func.func @_node_pre_body(%arg0: i32, %arg1: memref<1000x128xf32, #tpu.memory_space<vmem>>, %arg2: memref<128x128xf32, #tpu.memory_space<vmem>>, %arg3: memref<1x128xf32, #tpu.memory_space<vmem>>, %arg4: memref<128x128xf32, #tpu.memory_space<vmem>>, %arg5: memref<1x128xf32, #tpu.memory_space<vmem>>, %arg6: memref<128x128xf32, #tpu.memory_space<vmem>>, %arg7: memref<1x128xf32, #tpu.memory_space<vmem>>, %arg8: memref<1x128xf32, #tpu.memory_space<vmem>>, %arg9: memref<1x128xf32, #tpu.memory_space<vmem>>, %arg10: memref<1x128xf32, #tpu.memory_space<vmem>>, %arg11: memref<1x128xf32, #tpu.memory_space<vmem>>, %arg12: memref<1x1xf32, #tpu.memory_space<vmem>>, %arg13: memref<1000x128xf32, #tpu.memory_space<vmem>>, %arg14: memref<1000x128xf32, #tpu.memory_space<vmem>>, %arg15: memref<1000x128xf32, #tpu.memory_space<vmem>>) attributes {dimension_semantics = [#tpu.dimension_semantics<arbitrary>], iteration_bounds = array<i64: 10>, scalar_prefetch = 0 : i64, scratch_operands = 0 : i64, tpu.core_type = #tpu.core_type<tc>, window_params = [{transform_indices = @transform_0, window_bounds = array<i64: 1000, 128>}, {pipeline_mode = #tpu.pipeline_mode<synchronous>, transform_indices = @transform_1, window_bounds = array<i64: 128, 128>}, {pipeline_mode = #tpu.pipeline_mode<synchronous>, transform_indices = @transform_2, window_bounds = array<i64: 1, 128>}, {pipeline_mode = #tpu.pipeline_mode<synchronous>, transform_indices = @transform_3, window_bounds = array<i64: 128, 128>}, {pipeline_mode = #tpu.pipeline_mode<synchronous>, transform_indices = @transform_4, window_bounds = array<i64: 1, 128>}, {pipeline_mode = #tpu.pipeline_mode<synchronous>, transform_indices = @transform_5, window_bounds = array<i64: 128, 128>}, {pipeline_mode = #tpu.pipeline_mode<synchronous>, transform_indices = @transform_6, window_bounds = array<i64: 1, 128>}, {pipeline_mode = #tpu.pipeline_mode<synchronous>, transform_indices = @transform_7, window_bounds = array<i64: 1, 128>}, {pipeline_mode = #tpu.pipeline_mode<synchronous>, transform_indices = @transform_8, window_bounds = array<i64: 1, 128>}, {pipeline_mode = #tpu.pipeline_mode<synchronous>, transform_indices = @transform_9, window_bounds = array<i64: 1, 128>}, {pipeline_mode = #tpu.pipeline_mode<synchronous>, transform_indices = @transform_10, window_bounds = array<i64: 1, 128>}, {pipeline_mode = #tpu.pipeline_mode<synchronous>, transform_indices = @transform_11, window_bounds = array<i64: 1, 1>}, {transform_indices = @transform_12, window_bounds = array<i64: 1000, 128>}, {transform_indices = @transform_13, window_bounds = array<i64: 1000, 128>}, {transform_indices = @transform_14, window_bounds = array<i64: 1000, 128>}]} {
    %get3A = arith.constant 0 : index
    %get3A_0 = arith.constant 0 : index
    %get3A_1 = vector.load %arg1[%get3A, %get3A_0] : memref<1000x128xf32, #tpu.memory_space<vmem>>, vector<1000x128xf32>
    %get3A_2 = arith.constant 0 : index
    %get3A_3 = arith.constant 0 : index
    %get3A_4 = vector.load %arg8[%get3A_2, %get3A_3] : memref<1x128xf32, #tpu.memory_space<vmem>>, vector<1x128xf32>
    %get3A_5 = arith.constant 0 : index
    %get3A_6 = arith.constant 0 : index
    %get3A_7 = vector.load %arg9[%get3A_5, %get3A_6] : memref<1x128xf32, #tpu.memory_space<vmem>>, vector<1x128xf32>
    %reduce_sum3A = arith.constant dense<0.000000e+00> : vector<1000xf32>
    %reduce_sum3A_8 = vector.multi_reduction <add>, %get3A_1, %reduce_sum3A [1] : vector<1000x128xf32> to vector<1000xf32>
    %broadcast_in_dim3A = vector.shape_cast %reduce_sum3A_8 : vector<1000xf32> to vector<1000x1xf32>
    %div3A = arith.constant 1.280000e+02 : f32
    %div3A_9 = vector.broadcast %div3A : f32 to vector<1000x1xf32>
    %div3A_10 = arith.divf %broadcast_in_dim3A, %div3A_9 : vector<1000x1xf32>
    %sub3A = vector.broadcast %div3A_10 : vector<1000x1xf32> to vector<1000x128xf32>
    %sub3A_11 = arith.subf %get3A_1, %sub3A : vector<1000x128xf32>
    %integer_pow3A = arith.mulf %sub3A_11, %sub3A_11 : vector<1000x128xf32>
    %reduce_sum3A_12 = arith.constant dense<0.000000e+00> : vector<1000xf32>
    %reduce_sum3A_13 = vector.multi_reduction <add>, %integer_pow3A, %reduce_sum3A_12 [1] : vector<1000x128xf32> to vector<1000xf32>
    %broadcast_in_dim3A_14 = vector.shape_cast %reduce_sum3A_13 : vector<1000xf32> to vector<1000x1xf32>
    %div3A_15 = arith.constant 1.280000e+02 : f32
    %div3A_16 = vector.broadcast %div3A_15 : f32 to vector<1000x1xf32>
    %div3A_17 = arith.divf %broadcast_in_dim3A_14, %div3A_16 : vector<1000x1xf32>
    %sub3A_18 = vector.broadcast %div3A_10 : vector<1000x1xf32> to vector<1000x128xf32>
    %sub3A_19 = arith.subf %get3A_1, %sub3A_18 : vector<1000x128xf32>
    %add3A = arith.constant 9.99999974E-6 : f32
    %add3A_20 = vector.broadcast %add3A : f32 to vector<1000x1xf32>
    %add3A_21 = arith.addf %div3A_17, %add3A_20 : vector<1000x1xf32>
    %sqrt3A = math.sqrt %add3A_21 : vector<1000x1xf32>
    %div3A_22 = vector.broadcast %sqrt3A : vector<1000x1xf32> to vector<1000x128xf32>
    %div3A_23 = arith.divf %sub3A_19, %div3A_22 : vector<1000x128xf32>
    %mul3A = vector.broadcast %get3A_4 : vector<1x128xf32> to vector<1000x128xf32>
    %mul3A_24 = arith.mulf %div3A_23, %mul3A : vector<1000x128xf32>
    %add3A_25 = vector.broadcast %get3A_7 : vector<1x128xf32> to vector<1000x128xf32>
    %add3A_26 = arith.addf %mul3A_24, %add3A_25 : vector<1000x128xf32>
    %get3A_27 = arith.constant 0 : index
    %get3A_28 = arith.constant 0 : index
    %get3A_29 = vector.load %arg10[%get3A_27, %get3A_28] : memref<1x128xf32, #tpu.memory_space<vmem>>, vector<1x128xf32>
    %get3A_30 = arith.constant 0 : index
    %get3A_31 = arith.constant 0 : index
    %get3A_32 = vector.load %arg11[%get3A_30, %get3A_31] : memref<1x128xf32, #tpu.memory_space<vmem>>, vector<1x128xf32>
    %get3A_33 = arith.constant 0 : index
    %get3A_34 = arith.constant 0 : index
    %get3A_35 = vector.load %arg12[%get3A_33, %get3A_34] : memref<1x1xf32, #tpu.memory_space<vmem>>, vector<1x1xf32>
    %get3A_36 = vector.extract %get3A_35[0, 0] : f32 from vector<1x1xf32>
    %mul3A_37 = arith.constant 4.000000e+00 : f32
    %mul3A_38 = arith.mulf %mul3A_37, %get3A_36 : f32
    %div3A_39 = arith.constant 1.000000e+00 : f32
    %div3A_40 = arith.divf %div3A_39, %mul3A_38 : f32
    %get3A_41 = arith.constant 0 : index
    %get3A_42 = arith.constant 0 : index
    %get3A_43 = vector.load %arg2[%get3A_41, %get3A_42] : memref<128x128xf32, #tpu.memory_space<vmem>>, vector<128x128xf32>
    %dot_general3A = arith.constant dense<0.000000e+00> : vector<1000x128xf32>
    %dot_general3A_44 = tpu.matmul %add3A_26, %get3A_43, %dot_general3A {dimension_numbers = #tpu.dot_dimension_numbers<[1], [0], [0], [1], [0, 0, 1, 1], [], []>, transpose_lhs_hint = false} : vector<1000x128xf32>, vector<128x128xf32>, vector<1000x128xf32> -> vector<1000x128xf32>
    %get3A_45 = arith.constant 0 : index
    %get3A_46 = arith.constant 0 : index
    %get3A_47 = vector.load %arg3[%get3A_45, %get3A_46] : memref<1x128xf32, #tpu.memory_space<vmem>>, vector<1x128xf32>
    %add3A_48 = vector.broadcast %get3A_47 : vector<1x128xf32> to vector<1000x128xf32>
    %add3A_49 = arith.addf %dot_general3A_44, %add3A_48 : vector<1000x128xf32>
    %reduce_sum3A_50 = arith.constant dense<0.000000e+00> : vector<1000xf32>
    %reduce_sum3A_51 = vector.multi_reduction <add>, %add3A_49, %reduce_sum3A_50 [1] : vector<1000x128xf32> to vector<1000xf32>
    %broadcast_in_dim3A_52 = vector.shape_cast %reduce_sum3A_51 : vector<1000xf32> to vector<1000x1xf32>
    %div3A_53 = arith.constant 1.280000e+02 : f32
    %div3A_54 = vector.broadcast %div3A_53 : f32 to vector<1000x1xf32>
    %div3A_55 = arith.divf %broadcast_in_dim3A_52, %div3A_54 : vector<1000x1xf32>
    %sub3A_56 = vector.broadcast %div3A_55 : vector<1000x1xf32> to vector<1000x128xf32>
    %sub3A_57 = arith.subf %add3A_49, %sub3A_56 : vector<1000x128xf32>
    %integer_pow3A_58 = arith.mulf %sub3A_57, %sub3A_57 : vector<1000x128xf32>
    %reduce_sum3A_59 = arith.constant dense<0.000000e+00> : vector<1000xf32>
    %reduce_sum3A_60 = vector.multi_reduction <add>, %integer_pow3A_58, %reduce_sum3A_59 [1] : vector<1000x128xf32> to vector<1000xf32>
    %broadcast_in_dim3A_61 = vector.shape_cast %reduce_sum3A_60 : vector<1000xf32> to vector<1000x1xf32>
    %div3A_62 = arith.constant 1.280000e+02 : f32
    %div3A_63 = vector.broadcast %div3A_62 : f32 to vector<1000x1xf32>
    %div3A_64 = arith.divf %broadcast_in_dim3A_61, %div3A_63 : vector<1000x1xf32>
    %sub3A_65 = vector.broadcast %div3A_55 : vector<1000x1xf32> to vector<1000x128xf32>
    %sub3A_66 = arith.subf %add3A_49, %sub3A_65 : vector<1000x128xf32>
    %add3A_67 = arith.constant 9.99999974E-6 : f32
    %add3A_68 = vector.broadcast %add3A_67 : f32 to vector<1000x1xf32>
    %add3A_69 = arith.addf %div3A_64, %add3A_68 : vector<1000x1xf32>
    %sqrt3A_70 = math.sqrt %add3A_69 : vector<1000x1xf32>
    %div3A_71 = vector.broadcast %sqrt3A_70 : vector<1000x1xf32> to vector<1000x128xf32>
    %div3A_72 = arith.divf %sub3A_66, %div3A_71 : vector<1000x128xf32>
    %mul3A_73 = vector.broadcast %get3A_29 : vector<1x128xf32> to vector<1000x128xf32>
    %mul3A_74 = arith.mulf %div3A_72, %mul3A_73 : vector<1000x128xf32>
    %add3A_75 = vector.broadcast %get3A_32 : vector<1x128xf32> to vector<1000x128xf32>
    %add3A_76 = arith.addf %mul3A_74, %add3A_75 : vector<1000x128xf32>
    %mul3A_77 = vector.broadcast %div3A_40 : f32 to vector<1000x128xf32>
    %mul3A_78 = arith.mulf %add3A_76, %mul3A_77 : vector<1000x128xf32>
    %swap3A = arith.constant 0 : index
    %swap3A_79 = arith.constant 0 : index
    %swap3A_80 = vector.load %arg13[%swap3A, %swap3A_79] : memref<1000x128xf32, #tpu.memory_space<vmem>>, vector<1000x128xf32>
    tpu.vector_store %arg13[%swap3A, %swap3A_79], %mul3A_78 {strides = array<i32>} : memref<1000x128xf32, #tpu.memory_space<vmem>>, vector<1000x128xf32>,
    %get3A_81 = arith.constant 0 : index
    %get3A_82 = arith.constant 0 : index
    %get3A_83 = vector.load %arg4[%get3A_81, %get3A_82] : memref<128x128xf32, #tpu.memory_space<vmem>>, vector<128x128xf32>
    %dot_general3A_84 = arith.constant dense<0.000000e+00> : vector<1000x128xf32>
    %dot_general3A_85 = tpu.matmul %add3A_26, %get3A_83, %dot_general3A_84 {dimension_numbers = #tpu.dot_dimension_numbers<[1], [0], [0], [1], [0, 0, 1, 1], [], []>, transpose_lhs_hint = false} : vector<1000x128xf32>, vector<128x128xf32>, vector<1000x128xf32> -> vector<1000x128xf32>
    %get3A_86 = arith.constant 0 : index
    %get3A_87 = arith.constant 0 : index
    %get3A_88 = vector.load %arg5[%get3A_86, %get3A_87] : memref<1x128xf32, #tpu.memory_space<vmem>>, vector<1x128xf32>
    %add3A_89 = vector.broadcast %get3A_88 : vector<1x128xf32> to vector<1000x128xf32>
    %add3A_90 = arith.addf %dot_general3A_85, %add3A_89 : vector<1000x128xf32>
    %reduce_sum3A_91 = arith.constant dense<0.000000e+00> : vector<1000xf32>
    %reduce_sum3A_92 = vector.multi_reduction <add>, %add3A_90, %reduce_sum3A_91 [1] : vector<1000x128xf32> to vector<1000xf32>
    %broadcast_in_dim3A_93 = vector.shape_cast %reduce_sum3A_92 : vector<1000xf32> to vector<1000x1xf32>
    %div3A_94 = arith.constant 1.280000e+02 : f32
    %div3A_95 = vector.broadcast %div3A_94 : f32 to vector<1000x1xf32>
    %div3A_96 = arith.divf %broadcast_in_dim3A_93, %div3A_95 : vector<1000x1xf32>
    %sub3A_97 = vector.broadcast %div3A_96 : vector<1000x1xf32> to vector<1000x128xf32>
    %sub3A_98 = arith.subf %add3A_90, %sub3A_97 : vector<1000x128xf32>
    %integer_pow3A_99 = arith.mulf %sub3A_98, %sub3A_98 : vector<1000x128xf32>
    %reduce_sum3A_100 = arith.constant dense<0.000000e+00> : vector<1000xf32>
    %reduce_sum3A_101 = vector.multi_reduction <add>, %integer_pow3A_99, %reduce_sum3A_100 [1] : vector<1000x128xf32> to vector<1000xf32>
    %broadcast_in_dim3A_102 = vector.shape_cast %reduce_sum3A_101 : vector<1000xf32> to vector<1000x1xf32>
    %div3A_103 = arith.constant 1.280000e+02 : f32
    %div3A_104 = vector.broadcast %div3A_103 : f32 to vector<1000x1xf32>
    %div3A_105 = arith.divf %broadcast_in_dim3A_102, %div3A_104 : vector<1000x1xf32>
    %sub3A_106 = vector.broadcast %div3A_96 : vector<1000x1xf32> to vector<1000x128xf32>
    %sub3A_107 = arith.subf %add3A_90, %sub3A_106 : vector<1000x128xf32>
    %add3A_108 = arith.constant 9.99999974E-6 : f32
    %add3A_109 = vector.broadcast %add3A_108 : f32 to vector<1000x1xf32>
    %add3A_110 = arith.addf %div3A_105, %add3A_109 : vector<1000x1xf32>
    %sqrt3A_111 = math.sqrt %add3A_110 : vector<1000x1xf32>
    %div3A_112 = vector.broadcast %sqrt3A_111 : vector<1000x1xf32> to vector<1000x128xf32>
    %div3A_113 = arith.divf %sub3A_107, %div3A_112 : vector<1000x128xf32>
    %mul3A_114 = vector.broadcast %get3A_29 : vector<1x128xf32> to vector<1000x128xf32>
    %mul3A_115 = arith.mulf %div3A_113, %mul3A_114 : vector<1000x128xf32>
    %add3A_116 = vector.broadcast %get3A_32 : vector<1x128xf32> to vector<1000x128xf32>
    %add3A_117 = arith.addf %mul3A_115, %add3A_116 : vector<1000x128xf32>
    %swap3A_118 = arith.constant 0 : index
    %swap3A_119 = arith.constant 0 : index
    %swap3A_120 = vector.load %arg14[%swap3A_118, %swap3A_119] : memref<1000x128xf32, #tpu.memory_space<vmem>>, vector<1000x128xf32>
    tpu.vector_store %arg14[%swap3A_118, %swap3A_119], %add3A_117 {strides = array<i32>} : memref<1000x128xf32, #tpu.memory_space<vmem>>, vector<1000x128xf32>,
    %get3A_121 = arith.constant 0 : index
    %get3A_122 = arith.constant 0 : index
    %get3A_123 = vector.load %arg6[%get3A_121, %get3A_122] : memref<128x128xf32, #tpu.memory_space<vmem>>, vector<128x128xf32>
    %dot_general3A_124 = arith.constant dense<0.000000e+00> : vector<1000x128xf32>
    %dot_general3A_125 = tpu.matmul %add3A_26, %get3A_123, %dot_general3A_124 {dimension_numbers = #tpu.dot_dimension_numbers<[1], [0], [0], [1], [0, 0, 1, 1], [], []>, transpose_lhs_hint = false} : vector<1000x128xf32>, vector<128x128xf32>, vector<1000x128xf32> -> vector<1000x128xf32>
    %get3A_126 = arith.constant 0 : index
    %get3A_127 = arith.constant 0 : index
    %get3A_128 = vector.load %arg7[%get3A_126, %get3A_127] : memref<1x128xf32, #tpu.memory_space<vmem>>, vector<1x128xf32>
    %add3A_129 = vector.broadcast %get3A_128 : vector<1x128xf32> to vector<1000x128xf32>
    %add3A_130 = arith.addf %dot_general3A_125, %add3A_129 : vector<1000x128xf32>
    %reduce_sum3A_131 = arith.constant dense<0.000000e+00> : vector<1000xf32>
    %reduce_sum3A_132 = vector.multi_reduction <add>, %add3A_130, %reduce_sum3A_131 [1] : vector<1000x128xf32> to vector<1000xf32>
    %broadcast_in_dim3A_133 = vector.shape_cast %reduce_sum3A_132 : vector<1000xf32> to vector<1000x1xf32>
    %div3A_134 = arith.constant 1.280000e+02 : f32
    %div3A_135 = vector.broadcast %div3A_134 : f32 to vector<1000x1xf32>
    %div3A_136 = arith.divf %broadcast_in_dim3A_133, %div3A_135 : vector<1000x1xf32>
    %sub3A_137 = vector.broadcast %div3A_136 : vector<1000x1xf32> to vector<1000x128xf32>
    %sub3A_138 = arith.subf %add3A_130, %sub3A_137 : vector<1000x128xf32>
    %integer_pow3A_139 = arith.mulf %sub3A_138, %sub3A_138 : vector<1000x128xf32>
    %reduce_sum3A_140 = arith.constant dense<0.000000e+00> : vector<1000xf32>
    %reduce_sum3A_141 = vector.multi_reduction <add>, %integer_pow3A_139, %reduce_sum3A_140 [1] : vector<1000x128xf32> to vector<1000xf32>
    %broadcast_in_dim3A_142 = vector.shape_cast %reduce_sum3A_141 : vector<1000xf32> to vector<1000x1xf32>
    %div3A_143 = arith.constant 1.280000e+02 : f32
    %div3A_144 = vector.broadcast %div3A_143 : f32 to vector<1000x1xf32>
    %div3A_145 = arith.divf %broadcast_in_dim3A_142, %div3A_144 : vector<1000x1xf32>
    %sub3A_146 = vector.broadcast %div3A_136 : vector<1000x1xf32> to vector<1000x128xf32>
    %sub3A_147 = arith.subf %add3A_130, %sub3A_146 : vector<1000x128xf32>
    %add3A_148 = arith.constant 9.99999974E-6 : f32
    %add3A_149 = vector.broadcast %add3A_148 : f32 to vector<1000x1xf32>
    %add3A_150 = arith.addf %div3A_145, %add3A_149 : vector<1000x1xf32>
    %sqrt3A_151 = math.sqrt %add3A_150 : vector<1000x1xf32>
    %div3A_152 = vector.broadcast %sqrt3A_151 : vector<1000x1xf32> to vector<1000x128xf32>
    %div3A_153 = arith.divf %sub3A_147, %div3A_152 : vector<1000x128xf32>
    %mul3A_154 = vector.broadcast %get3A_29 : vector<1x128xf32> to vector<1000x128xf32>
    %mul3A_155 = arith.mulf %div3A_153, %mul3A_154 : vector<1000x128xf32>
    %add3A_156 = vector.broadcast %get3A_32 : vector<1x128xf32> to vector<1000x128xf32>
    %add3A_157 = arith.addf %mul3A_155, %add3A_156 : vector<1000x128xf32>
    %swap3A_158 = arith.constant 0 : index
    %swap3A_159 = arith.constant 0 : index
    %swap3A_160 = vector.load %arg15[%swap3A_158, %swap3A_159] : memref<1000x128xf32, #tpu.memory_space<vmem>>, vector<1000x128xf32>
    tpu.vector_store %arg15[%swap3A_158, %swap3A_159], %add3A_157 {strides = array<i32>} : memref<1000x128xf32, #tpu.memory_space<vmem>>, vector<1000x128xf32>,
    return
  }
  func.func @transform_0(%arg0: i32) -> (i32, i32) {
    %c0_i32 = arith.constant 0 : i32
    %c0_i32_0 = arith.constant 0 : i32
    return %arg0, %c0_i32 : i32, i32
  }
  func.func @transform_1(%arg0: i32) -> (i32, i32) {
    %c0_i32 = arith.constant 0 : i32
    %c0_i32_0 = arith.constant 0 : i32
    %c0_i32_1 = arith.constant 0 : i32
    return %c0_i32, %c0_i32_0 : i32, i32
  }
  func.func @transform_2(%arg0: i32) -> (i32, i32) {
    %c0_i32 = arith.constant 0 : i32
    %c0_i32_0 = arith.constant 0 : i32
    %c0_i32_1 = arith.constant 0 : i32
    return %c0_i32, %c0_i32_0 : i32, i32
  }
  func.func @transform_3(%arg0: i32) -> (i32, i32) {
    %c0_i32 = arith.constant 0 : i32
    %c0_i32_0 = arith.constant 0 : i32
    %c0_i32_1 = arith.constant 0 : i32
    return %c0_i32, %c0_i32_0 : i32, i32
  }
  func.func @transform_4(%arg0: i32) -> (i32, i32) {
    %c0_i32 = arith.constant 0 : i32
    %c0_i32_0 = arith.constant 0 : i32
    %c0_i32_1 = arith.constant 0 : i32
    return %c0_i32, %c0_i32_0 : i32, i32
  }
  func.func @transform_5(%arg0: i32) -> (i32, i32) {
    %c0_i32 = arith.constant 0 : i32
    %c0_i32_0 = arith.constant 0 : i32
    %c0_i32_1 = arith.constant 0 : i32
    return %c0_i32, %c0_i32_0 : i32, i32
  }
  func.func @transform_6(%arg0: i32) -> (i32, i32) {
    %c0_i32 = arith.constant 0 : i32
    %c0_i32_0 = arith.constant 0 : i32
    %c0_i32_1 = arith.constant 0 : i32
    return %c0_i32, %c0_i32_0 : i32, i32
  }
  func.func @transform_7(%arg0: i32) -> (i32, i32) {
    %c0_i32 = arith.constant 0 : i32
    %c0_i32_0 = arith.constant 0 : i32
    %c0_i32_1 = arith.constant 0 : i32
    return %c0_i32, %c0_i32_0 : i32, i32
  }
  func.func @transform_8(%arg0: i32) -> (i32, i32) {
    %c0_i32 = arith.constant 0 : i32
    %c0_i32_0 = arith.constant 0 : i32
    %c0_i32_1 = arith.constant 0 : i32
    return %c0_i32, %c0_i32_0 : i32, i32
  }
  func.func @transform_9(%arg0: i32) -> (i32, i32) {
    %c0_i32 = arith.constant 0 : i32
    %c0_i32_0 = arith.constant 0 : i32
    %c0_i32_1 = arith.constant 0 : i32
    return %c0_i32, %c0_i32_0 : i32, i32
  }
  func.func @transform_10(%arg0: i32) -> (i32, i32) {
    %c0_i32 = arith.constant 0 : i32
    %c0_i32_0 = arith.constant 0 : i32
    %c0_i32_1 = arith.constant 0 : i32
    return %c0_i32, %c0_i32_0 : i32, i32
  }
  func.func @transform_11(%arg0: i32) -> (i32, i32) {
    %c0_i32 = arith.constant 0 : i32
    %c0_i32_0 = arith.constant 0 : i32
    %c0_i32_1 = arith.constant 0 : i32
    return %c0_i32, %c0_i32_0 : i32, i32
  }
  func.func @transform_12(%arg0: i32) -> (i32, i32) {
    %c0_i32 = arith.constant 0 : i32
    %c0_i32_0 = arith.constant 0 : i32
    return %arg0, %c0_i32 : i32, i32
  }
  func.func @transform_13(%arg0: i32) -> (i32, i32) {
    %c0_i32 = arith.constant 0 : i32
    %c0_i32_0 = arith.constant 0 : i32
    return %arg0, %c0_i32 : i32, i32
  }
  func.func @transform_14(%arg0: i32) -> (i32, i32) {
    %c0_i32 = arith.constant 0 : i32
    %c0_i32_0 = arith.constant 0 : i32
    return %arg0, %c0_i32 : i32, i32
  }
}

module attributes {stable_mosaic.version = 14 : i64} {
  func.func @_edge_score_body(%arg0: i32, %arg1: memref<2000x128xf32, #tpu.memory_space<vmem>>, %arg2: memref<2000x128xf32, #tpu.memory_space<vmem>>, %arg3: memref<2000x128xf32, #tpu.memory_space<vmem>>, %arg4: memref<128x128xf32, #tpu.memory_space<vmem>>, %arg5: memref<1x128xf32, #tpu.memory_space<vmem>>, %arg6: memref<128x128xf32, #tpu.memory_space<vmem>>, %arg7: memref<2000x128xf32, #tpu.memory_space<vmem>>, %arg8: memref<2000x128xf32, #tpu.memory_space<vmem>>) attributes {dimension_semantics = [#tpu.dimension_semantics<arbitrary>], iteration_bounds = array<i64: 160>, scalar_prefetch = 0 : i64, scratch_operands = 0 : i64, tpu.core_type = #tpu.core_type<tc>, window_params = [{transform_indices = @transform_0, window_bounds = array<i64: 2000, 128>}, {transform_indices = @transform_1, window_bounds = array<i64: 2000, 128>}, {transform_indices = @transform_2, window_bounds = array<i64: 2000, 128>}, {pipeline_mode = #tpu.pipeline_mode<synchronous>, transform_indices = @transform_3, window_bounds = array<i64: 128, 128>}, {pipeline_mode = #tpu.pipeline_mode<synchronous>, transform_indices = @transform_4, window_bounds = array<i64: 1, 128>}, {pipeline_mode = #tpu.pipeline_mode<synchronous>, transform_indices = @transform_5, window_bounds = array<i64: 128, 128>}, {transform_indices = @transform_6, window_bounds = array<i64: 2000, 128>}, {transform_indices = @transform_7, window_bounds = array<i64: 2000, 128>}]} {
    %get3A = arith.constant 0 : index
    %get3A_0 = arith.constant 0 : index
    %get3A_1 = vector.load %arg2[%get3A, %get3A_0] : memref<2000x128xf32, #tpu.memory_space<vmem>>, vector<2000x128xf32>
    %get3A_2 = arith.constant 0 : index
    %get3A_3 = arith.constant 0 : index
    %get3A_4 = vector.load %arg3[%get3A_2, %get3A_3] : memref<2000x128xf32, #tpu.memory_space<vmem>>, vector<2000x128xf32>
    %add3A = arith.addf %get3A_1, %get3A_4 : vector<2000x128xf32>
    %jit3A = arith.constant -5.000000e+00 : f32
    %jit3A_5 = arith.constant 5.000000e+00 : f32
    %max3A = vector.broadcast %jit3A : f32 to vector<2000x128xf32>
    %max3A_6 = arith.maximumf %max3A, %add3A : vector<2000x128xf32>
    %min3A = vector.broadcast %jit3A_5 : f32 to vector<2000x128xf32>
    %min3A_7 = arith.minimumf %min3A, %max3A_6 : vector<2000x128xf32>
    %exp3A = math.exp %min3A_7 : vector<2000x128xf32>
    %get3A_8 = arith.constant 0 : index
    %get3A_9 = arith.constant 0 : index
    %get3A_10 = vector.load %arg6[%get3A_8, %get3A_9] : memref<128x128xf32, #tpu.memory_space<vmem>>, vector<128x128xf32>
    %dot_general3A = arith.constant dense<0.000000e+00> : vector<2000x128xf32>
    %dot_general3A_11 = tpu.matmul %exp3A, %get3A_10, %dot_general3A {dimension_numbers = #tpu.dot_dimension_numbers<[1], [0], [0], [1], [0, 0, 1, 1], [], []>, transpose_lhs_hint = false} : vector<2000x128xf32>, vector<128x128xf32>, vector<2000x128xf32> -> vector<2000x128xf32>
    %div3A = arith.divf %exp3A, %dot_general3A_11 : vector<2000x128xf32>
    %swap3A = arith.constant 0 : index
    %swap3A_12 = arith.constant 0 : index
    %swap3A_13 = vector.load %arg7[%swap3A, %swap3A_12] : memref<2000x128xf32, #tpu.memory_space<vmem>>, vector<2000x128xf32>
    tpu.vector_store %arg7[%swap3A, %swap3A_12], %div3A {strides = array<i32>} : memref<2000x128xf32, #tpu.memory_space<vmem>>, vector<2000x128xf32>,
    %get3A_14 = arith.constant 0 : index
    %get3A_15 = arith.constant 0 : index
    %get3A_16 = vector.load %arg4[%get3A_14, %get3A_15] : memref<128x128xf32, #tpu.memory_space<vmem>>, vector<128x128xf32>
    %dot_general3A_17 = arith.constant dense<0.000000e+00> : vector<2000x128xf32>
    %dot_general3A_18 = tpu.matmul %div3A, %get3A_16, %dot_general3A_17 {dimension_numbers = #tpu.dot_dimension_numbers<[1], [0], [0], [1], [0, 0, 1, 1], [], []>, transpose_lhs_hint = false} : vector<2000x128xf32>, vector<128x128xf32>, vector<2000x128xf32> -> vector<2000x128xf32>
    %get3A_19 = arith.constant 0 : index
    %get3A_20 = arith.constant 0 : index
    %get3A_21 = vector.load %arg5[%get3A_19, %get3A_20] : memref<1x128xf32, #tpu.memory_space<vmem>>, vector<1x128xf32>
    %add3A_22 = vector.broadcast %get3A_21 : vector<1x128xf32> to vector<2000x128xf32>
    %add3A_23 = arith.addf %dot_general3A_18, %add3A_22 : vector<2000x128xf32>
    %get3A_24 = arith.constant 0 : index
    %get3A_25 = arith.constant 0 : index
    %get3A_26 = vector.load %arg1[%get3A_24, %get3A_25] : memref<2000x128xf32, #tpu.memory_space<vmem>>, vector<2000x128xf32>
    %add3A_27 = arith.addf %add3A_23, %get3A_26 : vector<2000x128xf32>
    %swap3A_28 = arith.constant 0 : index
    %swap3A_29 = arith.constant 0 : index
    %swap3A_30 = vector.load %arg8[%swap3A_28, %swap3A_29] : memref<2000x128xf32, #tpu.memory_space<vmem>>, vector<2000x128xf32>
    tpu.vector_store %arg8[%swap3A_28, %swap3A_29], %add3A_27 {strides = array<i32>} : memref<2000x128xf32, #tpu.memory_space<vmem>>, vector<2000x128xf32>,
    return
  }
  func.func @transform_0(%arg0: i32) -> (i32, i32) {
    %c0_i32 = arith.constant 0 : i32
    %c0_i32_0 = arith.constant 0 : i32
    return %arg0, %c0_i32 : i32, i32
  }
  func.func @transform_1(%arg0: i32) -> (i32, i32) {
    %c0_i32 = arith.constant 0 : i32
    %c0_i32_0 = arith.constant 0 : i32
    return %arg0, %c0_i32 : i32, i32
  }
  func.func @transform_2(%arg0: i32) -> (i32, i32) {
    %c0_i32 = arith.constant 0 : i32
    %c0_i32_0 = arith.constant 0 : i32
    return %arg0, %c0_i32 : i32, i32
  }
  func.func @transform_3(%arg0: i32) -> (i32, i32) {
    %c0_i32 = arith.constant 0 : i32
    %c0_i32_0 = arith.constant 0 : i32
    %c0_i32_1 = arith.constant 0 : i32
    return %c0_i32, %c0_i32_0 : i32, i32
  }
  func.func @transform_4(%arg0: i32) -> (i32, i32) {
    %c0_i32 = arith.constant 0 : i32
    %c0_i32_0 = arith.constant 0 : i32
    %c0_i32_1 = arith.constant 0 : i32
    return %c0_i32, %c0_i32_0 : i32, i32
  }
  func.func @transform_5(%arg0: i32) -> (i32, i32) {
    %c0_i32 = arith.constant 0 : i32
    %c0_i32_0 = arith.constant 0 : i32
    %c0_i32_1 = arith.constant 0 : i32
    return %c0_i32, %c0_i32_0 : i32, i32
  }
  func.func @transform_6(%arg0: i32) -> (i32, i32) {
    %c0_i32 = arith.constant 0 : i32
    %c0_i32_0 = arith.constant 0 : i32
    return %arg0, %c0_i32 : i32, i32
  }
  func.func @transform_7(%arg0: i32) -> (i32, i32) {
    %c0_i32 = arith.constant 0 : i32
    %c0_i32_0 = arith.constant 0 : i32
    return %arg0, %c0_i32 : i32, i32
  }
}

module attributes {stable_mosaic.version = 14 : i64} {
  func.func @_edge_plp_body(%arg0: i32, %arg1: memref<2000x128xf32, #tpu.memory_space<vmem>>, %arg2: memref<2000x128xf32, #tpu.memory_space<vmem>>, %arg3: memref<128x128xf32, #tpu.memory_space<vmem>>, %arg4: memref<1x128xf32, #tpu.memory_space<vmem>>, %arg5: memref<128x128xf32, #tpu.memory_space<vmem>>, %arg6: memref<1x128xf32, #tpu.memory_space<vmem>>, %arg7: memref<1x128xf32, #tpu.memory_space<vmem>>, %arg8: memref<1x128xf32, #tpu.memory_space<vmem>>, %arg9: memref<1x128xf32, #tpu.memory_space<vmem>>, %arg10: memref<1x128xf32, #tpu.memory_space<vmem>>, %arg11: memref<1x128xf32, #tpu.memory_space<vmem>>, %arg12: memref<2000x128xf32, #tpu.memory_space<vmem>>) attributes {dimension_semantics = [#tpu.dimension_semantics<arbitrary>], iteration_bounds = array<i64: 160>, scalar_prefetch = 0 : i64, scratch_operands = 0 : i64, tpu.core_type = #tpu.core_type<tc>, window_params = [{transform_indices = @transform_0, window_bounds = array<i64: 2000, 128>}, {transform_indices = @transform_1, window_bounds = array<i64: 2000, 128>}, {pipeline_mode = #tpu.pipeline_mode<synchronous>, transform_indices = @transform_2, window_bounds = array<i64: 128, 128>}, {pipeline_mode = #tpu.pipeline_mode<synchronous>, transform_indices = @transform_3, window_bounds = array<i64: 1, 128>}, {pipeline_mode = #tpu.pipeline_mode<synchronous>, transform_indices = @transform_4, window_bounds = array<i64: 128, 128>}, {pipeline_mode = #tpu.pipeline_mode<synchronous>, transform_indices = @transform_5, window_bounds = array<i64: 1, 128>}, {pipeline_mode = #tpu.pipeline_mode<synchronous>, transform_indices = @transform_6, window_bounds = array<i64: 1, 128>}, {pipeline_mode = #tpu.pipeline_mode<synchronous>, transform_indices = @transform_7, window_bounds = array<i64: 1, 128>}, {pipeline_mode = #tpu.pipeline_mode<synchronous>, transform_indices = @transform_8, window_bounds = array<i64: 1, 128>}, {pipeline_mode = #tpu.pipeline_mode<synchronous>, transform_indices = @transform_9, window_bounds = array<i64: 1, 128>}, {pipeline_mode = #tpu.pipeline_mode<synchronous>, transform_indices = @transform_10, window_bounds = array<i64: 1, 128>}, {transform_indices = @transform_11, window_bounds = array<i64: 2000, 128>}]} {
    %get3A = arith.constant 0 : index
    %get3A_0 = arith.constant 0 : index
    %get3A_1 = vector.load %arg10[%get3A, %get3A_0] : memref<1x128xf32, #tpu.memory_space<vmem>>, vector<1x128xf32>
    %get3A_2 = arith.constant 0 : index
    %get3A_3 = arith.constant 0 : index
    %get3A_4 = vector.load %arg11[%get3A_2, %get3A_3] : memref<1x128xf32, #tpu.memory_space<vmem>>, vector<1x128xf32>
    %get3A_5 = arith.constant 0 : index
    %get3A_6 = arith.constant 0 : index
    %get3A_7 = vector.load %arg1[%get3A_5, %get3A_6] : memref<2000x128xf32, #tpu.memory_space<vmem>>, vector<2000x128xf32>
    %get3A_8 = arith.constant 0 : index
    %get3A_9 = arith.constant 0 : index
    %get3A_10 = vector.load %arg8[%get3A_8, %get3A_9] : memref<1x128xf32, #tpu.memory_space<vmem>>, vector<1x128xf32>
    %get3A_11 = arith.constant 0 : index
    %get3A_12 = arith.constant 0 : index
    %get3A_13 = vector.load %arg9[%get3A_11, %get3A_12] : memref<1x128xf32, #tpu.memory_space<vmem>>, vector<1x128xf32>
    %reduce_sum3A = arith.constant dense<0.000000e+00> : vector<2000xf32>
    %reduce_sum3A_14 = vector.multi_reduction <add>, %get3A_7, %reduce_sum3A [1] : vector<2000x128xf32> to vector<2000xf32>
    %broadcast_in_dim3A = vector.shape_cast %reduce_sum3A_14 : vector<2000xf32> to vector<2000x1xf32>
    %div3A = arith.constant 1.280000e+02 : f32
    %div3A_15 = vector.broadcast %div3A : f32 to vector<2000x1xf32>
    %div3A_16 = arith.divf %broadcast_in_dim3A, %div3A_15 : vector<2000x1xf32>
    %sub3A = vector.broadcast %div3A_16 : vector<2000x1xf32> to vector<2000x128xf32>
    %sub3A_17 = arith.subf %get3A_7, %sub3A : vector<2000x128xf32>
    %integer_pow3A = arith.mulf %sub3A_17, %sub3A_17 : vector<2000x128xf32>
    %reduce_sum3A_18 = arith.constant dense<0.000000e+00> : vector<2000xf32>
    %reduce_sum3A_19 = vector.multi_reduction <add>, %integer_pow3A, %reduce_sum3A_18 [1] : vector<2000x128xf32> to vector<2000xf32>
    %broadcast_in_dim3A_20 = vector.shape_cast %reduce_sum3A_19 : vector<2000xf32> to vector<2000x1xf32>
    %div3A_21 = arith.constant 1.280000e+02 : f32
    %div3A_22 = vector.broadcast %div3A_21 : f32 to vector<2000x1xf32>
    %div3A_23 = arith.divf %broadcast_in_dim3A_20, %div3A_22 : vector<2000x1xf32>
    %sub3A_24 = vector.broadcast %div3A_16 : vector<2000x1xf32> to vector<2000x128xf32>
    %sub3A_25 = arith.subf %get3A_7, %sub3A_24 : vector<2000x128xf32>
    %add3A = arith.constant 9.99999974E-6 : f32
    %add3A_26 = vector.broadcast %add3A : f32 to vector<2000x1xf32>
    %add3A_27 = arith.addf %div3A_23, %add3A_26 : vector<2000x1xf32>
    %sqrt3A = math.sqrt %add3A_27 : vector<2000x1xf32>
    %div3A_28 = vector.broadcast %sqrt3A : vector<2000x1xf32> to vector<2000x128xf32>
    %div3A_29 = arith.divf %sub3A_25, %div3A_28 : vector<2000x128xf32>
    %mul3A = vector.broadcast %get3A_10 : vector<1x128xf32> to vector<2000x128xf32>
    %mul3A_30 = arith.mulf %div3A_29, %mul3A : vector<2000x128xf32>
    %add3A_31 = vector.broadcast %get3A_13 : vector<1x128xf32> to vector<2000x128xf32>
    %add3A_32 = arith.addf %mul3A_30, %add3A_31 : vector<2000x128xf32>
    %get3A_33 = arith.constant 0 : index
    %get3A_34 = arith.constant 0 : index
    %get3A_35 = vector.load %arg3[%get3A_33, %get3A_34] : memref<128x128xf32, #tpu.memory_space<vmem>>, vector<128x128xf32>
    %dot_general3A = arith.constant dense<0.000000e+00> : vector<2000x128xf32>
    %dot_general3A_36 = tpu.matmul %add3A_32, %get3A_35, %dot_general3A {dimension_numbers = #tpu.dot_dimension_numbers<[1], [0], [0], [1], [0, 0, 1, 1], [], []>, transpose_lhs_hint = false} : vector<2000x128xf32>, vector<128x128xf32>, vector<2000x128xf32> -> vector<2000x128xf32>
    %get3A_37 = arith.constant 0 : index
    %get3A_38 = arith.constant 0 : index
    %get3A_39 = vector.load %arg4[%get3A_37, %get3A_38] : memref<1x128xf32, #tpu.memory_space<vmem>>, vector<1x128xf32>
    %add3A_40 = vector.broadcast %get3A_39 : vector<1x128xf32> to vector<2000x128xf32>
    %add3A_41 = arith.addf %dot_general3A_36, %add3A_40 : vector<2000x128xf32>
    %reduce_sum3A_42 = arith.constant dense<0.000000e+00> : vector<2000xf32>
    %reduce_sum3A_43 = vector.multi_reduction <add>, %add3A_41, %reduce_sum3A_42 [1] : vector<2000x128xf32> to vector<2000xf32>
    %broadcast_in_dim3A_44 = vector.shape_cast %reduce_sum3A_43 : vector<2000xf32> to vector<2000x1xf32>
    %div3A_45 = arith.constant 1.280000e+02 : f32
    %div3A_46 = vector.broadcast %div3A_45 : f32 to vector<2000x1xf32>
    %div3A_47 = arith.divf %broadcast_in_dim3A_44, %div3A_46 : vector<2000x1xf32>
    %sub3A_48 = vector.broadcast %div3A_47 : vector<2000x1xf32> to vector<2000x128xf32>
    %sub3A_49 = arith.subf %add3A_41, %sub3A_48 : vector<2000x128xf32>
    %integer_pow3A_50 = arith.mulf %sub3A_49, %sub3A_49 : vector<2000x128xf32>
    %reduce_sum3A_51 = arith.constant dense<0.000000e+00> : vector<2000xf32>
    %reduce_sum3A_52 = vector.multi_reduction <add>, %integer_pow3A_50, %reduce_sum3A_51 [1] : vector<2000x128xf32> to vector<2000xf32>
    %broadcast_in_dim3A_53 = vector.shape_cast %reduce_sum3A_52 : vector<2000xf32> to vector<2000x1xf32>
    %div3A_54 = arith.constant 1.280000e+02 : f32
    %div3A_55 = vector.broadcast %div3A_54 : f32 to vector<2000x1xf32>
    %div3A_56 = arith.divf %broadcast_in_dim3A_53, %div3A_55 : vector<2000x1xf32>
    %sub3A_57 = vector.broadcast %div3A_47 : vector<2000x1xf32> to vector<2000x128xf32>
    %sub3A_58 = arith.subf %add3A_41, %sub3A_57 : vector<2000x128xf32>
    %add3A_59 = arith.constant 9.99999974E-6 : f32
    %add3A_60 = vector.broadcast %add3A_59 : f32 to vector<2000x1xf32>
    %add3A_61 = arith.addf %div3A_56, %add3A_60 : vector<2000x1xf32>
    %sqrt3A_62 = math.sqrt %add3A_61 : vector<2000x1xf32>
    %div3A_63 = vector.broadcast %sqrt3A_62 : vector<2000x1xf32> to vector<2000x128xf32>
    %div3A_64 = arith.divf %sub3A_58, %div3A_63 : vector<2000x128xf32>
    %mul3A_65 = vector.broadcast %get3A_1 : vector<1x128xf32> to vector<2000x128xf32>
    %mul3A_66 = arith.mulf %div3A_64, %mul3A_65 : vector<2000x128xf32>
    %add3A_67 = vector.broadcast %get3A_4 : vector<1x128xf32> to vector<2000x128xf32>
    %add3A_68 = arith.addf %mul3A_66, %add3A_67 : vector<2000x128xf32>
    %get3A_69 = arith.constant 0 : index
    %get3A_70 = arith.constant 0 : index
    %get3A_71 = vector.load %arg2[%get3A_69, %get3A_70] : memref<2000x128xf32, #tpu.memory_space<vmem>>, vector<2000x128xf32>
    %get3A_72 = arith.constant 0 : index
    %get3A_73 = arith.constant 0 : index
    %get3A_74 = vector.load %arg5[%get3A_72, %get3A_73] : memref<128x128xf32, #tpu.memory_space<vmem>>, vector<128x128xf32>
    %dot_general3A_75 = arith.constant dense<0.000000e+00> : vector<2000x128xf32>
    %dot_general3A_76 = tpu.matmul %get3A_71, %get3A_74, %dot_general3A_75 {dimension_numbers = #tpu.dot_dimension_numbers<[1], [0], [0], [1], [0, 0, 1, 1], [], []>, transpose_lhs_hint = false} : vector<2000x128xf32>, vector<128x128xf32>, vector<2000x128xf32> -> vector<2000x128xf32>
    %get3A_77 = arith.constant 0 : index
    %get3A_78 = arith.constant 0 : index
    %get3A_79 = vector.load %arg6[%get3A_77, %get3A_78] : memref<1x128xf32, #tpu.memory_space<vmem>>, vector<1x128xf32>
    %add3A_80 = vector.broadcast %get3A_79 : vector<1x128xf32> to vector<2000x128xf32>
    %add3A_81 = arith.addf %dot_general3A_76, %add3A_80 : vector<2000x128xf32>
    %get3A_82 = arith.constant 0 : index
    %get3A_83 = arith.constant 0 : index
    %get3A_84 = vector.load %arg7[%get3A_82, %get3A_83] : memref<1x128xf32, #tpu.memory_space<vmem>>, vector<1x128xf32>
    %add3A_85 = vector.broadcast %get3A_84 : vector<1x128xf32> to vector<2000x128xf32>
    %add3A_86 = arith.addf %add3A_81, %add3A_85 : vector<2000x128xf32>
    %reduce_sum3A_87 = arith.constant dense<0.000000e+00> : vector<2000xf32>
    %reduce_sum3A_88 = vector.multi_reduction <add>, %add3A_86, %reduce_sum3A_87 [1] : vector<2000x128xf32> to vector<2000xf32>
    %broadcast_in_dim3A_89 = vector.shape_cast %reduce_sum3A_88 : vector<2000xf32> to vector<2000x1xf32>
    %div3A_90 = arith.constant 1.280000e+02 : f32
    %div3A_91 = vector.broadcast %div3A_90 : f32 to vector<2000x1xf32>
    %div3A_92 = arith.divf %broadcast_in_dim3A_89, %div3A_91 : vector<2000x1xf32>
    %sub3A_93 = vector.broadcast %div3A_92 : vector<2000x1xf32> to vector<2000x128xf32>
    %sub3A_94 = arith.subf %add3A_86, %sub3A_93 : vector<2000x128xf32>
    %integer_pow3A_95 = arith.mulf %sub3A_94, %sub3A_94 : vector<2000x128xf32>
    %reduce_sum3A_96 = arith.constant dense<0.000000e+00> : vector<2000xf32>
    %reduce_sum3A_97 = vector.multi_reduction <add>, %integer_pow3A_95, %reduce_sum3A_96 [1] : vector<2000x128xf32> to vector<2000xf32>
    %broadcast_in_dim3A_98 = vector.shape_cast %reduce_sum3A_97 : vector<2000xf32> to vector<2000x1xf32>
    %div3A_99 = arith.constant 1.280000e+02 : f32
    %div3A_100 = vector.broadcast %div3A_99 : f32 to vector<2000x1xf32>
    %div3A_101 = arith.divf %broadcast_in_dim3A_98, %div3A_100 : vector<2000x1xf32>
    %sub3A_102 = vector.broadcast %div3A_92 : vector<2000x1xf32> to vector<2000x128xf32>
    %sub3A_103 = arith.subf %add3A_86, %sub3A_102 : vector<2000x128xf32>
    %add3A_104 = arith.constant 9.99999974E-6 : f32
    %add3A_105 = vector.broadcast %add3A_104 : f32 to vector<2000x1xf32>
    %add3A_106 = arith.addf %div3A_101, %add3A_105 : vector<2000x1xf32>
    %sqrt3A_107 = math.sqrt %add3A_106 : vector<2000x1xf32>
    %div3A_108 = vector.broadcast %sqrt3A_107 : vector<2000x1xf32> to vector<2000x128xf32>
    %div3A_109 = arith.divf %sub3A_103, %div3A_108 : vector<2000x128xf32>
    %mul3A_110 = vector.broadcast %get3A_1 : vector<1x128xf32> to vector<2000x128xf32>
    %mul3A_111 = arith.mulf %div3A_109, %mul3A_110 : vector<2000x128xf32>
    %add3A_112 = vector.broadcast %get3A_4 : vector<1x128xf32> to vector<2000x128xf32>
    %add3A_113 = arith.addf %mul3A_111, %add3A_112 : vector<2000x128xf32>
    %add3A_114 = arith.addf %add3A_68, %add3A_113 : vector<2000x128xf32>
    %swap3A = arith.constant 0 : index
    %swap3A_115 = arith.constant 0 : index
    %swap3A_116 = vector.load %arg12[%swap3A, %swap3A_115] : memref<2000x128xf32, #tpu.memory_space<vmem>>, vector<2000x128xf32>
    tpu.vector_store %arg12[%swap3A, %swap3A_115], %add3A_114 {strides = array<i32>} : memref<2000x128xf32, #tpu.memory_space<vmem>>, vector<2000x128xf32>,
    return
  }
  func.func @transform_0(%arg0: i32) -> (i32, i32) {
    %c0_i32 = arith.constant 0 : i32
    %c0_i32_0 = arith.constant 0 : i32
    return %arg0, %c0_i32 : i32, i32
  }
  func.func @transform_1(%arg0: i32) -> (i32, i32) {
    %c0_i32 = arith.constant 0 : i32
    %c0_i32_0 = arith.constant 0 : i32
    return %arg0, %c0_i32 : i32, i32
  }
  func.func @transform_2(%arg0: i32) -> (i32, i32) {
    %c0_i32 = arith.constant 0 : i32
    %c0_i32_0 = arith.constant 0 : i32
    %c0_i32_1 = arith.constant 0 : i32
    return %c0_i32, %c0_i32_0 : i32, i32
  }
  func.func @transform_3(%arg0: i32) -> (i32, i32) {
    %c0_i32 = arith.constant 0 : i32
    %c0_i32_0 = arith.constant 0 : i32
    %c0_i32_1 = arith.constant 0 : i32
    return %c0_i32, %c0_i32_0 : i32, i32
  }
  func.func @transform_4(%arg0: i32) -> (i32, i32) {
    %c0_i32 = arith.constant 0 : i32
    %c0_i32_0 = arith.constant 0 : i32
    %c0_i32_1 = arith.constant 0 : i32
    return %c0_i32, %c0_i32_0 : i32, i32
  }
  func.func @transform_5(%arg0: i32) -> (i32, i32) {
    %c0_i32 = arith.constant 0 : i32
    %c0_i32_0 = arith.constant 0 : i32
    %c0_i32_1 = arith.constant 0 : i32
    return %c0_i32, %c0_i32_0 : i32, i32
  }
  func.func @transform_6(%arg0: i32) -> (i32, i32) {
    %c0_i32 = arith.constant 0 : i32
    %c0_i32_0 = arith.constant 0 : i32
    %c0_i32_1 = arith.constant 0 : i32
    return %c0_i32, %c0_i32_0 : i32, i32
  }
  func.func @transform_7(%arg0: i32) -> (i32, i32) {
    %c0_i32 = arith.constant 0 : i32
    %c0_i32_0 = arith.constant 0 : i32
    %c0_i32_1 = arith.constant 0 : i32
    return %c0_i32, %c0_i32_0 : i32, i32
  }
  func.func @transform_8(%arg0: i32) -> (i32, i32) {
    %c0_i32 = arith.constant 0 : i32
    %c0_i32_0 = arith.constant 0 : i32
    %c0_i32_1 = arith.constant 0 : i32
    return %c0_i32, %c0_i32_0 : i32, i32
  }
  func.func @transform_9(%arg0: i32) -> (i32, i32) {
    %c0_i32 = arith.constant 0 : i32
    %c0_i32_0 = arith.constant 0 : i32
    %c0_i32_1 = arith.constant 0 : i32
    return %c0_i32, %c0_i32_0 : i32, i32
  }
  func.func @transform_10(%arg0: i32) -> (i32, i32) {
    %c0_i32 = arith.constant 0 : i32
    %c0_i32_0 = arith.constant 0 : i32
    %c0_i32_1 = arith.constant 0 : i32
    return %c0_i32, %c0_i32_0 : i32, i32
  }
  func.func @transform_11(%arg0: i32) -> (i32, i32) {
    %c0_i32 = arith.constant 0 : i32
    %c0_i32_0 = arith.constant 0 : i32
    return %arg0, %c0_i32 : i32, i32
  }
}

module attributes {stable_mosaic.version = 14 : i64} {
  func.func @_edge_ffn_body(%arg0: i32, %arg1: memref<2000x128xf32, #tpu.memory_space<vmem>>, %arg2: memref<128x512xf32, #tpu.memory_space<vmem>>, %arg3: memref<1x512xf32, #tpu.memory_space<vmem>>, %arg4: memref<512x128xf32, #tpu.memory_space<vmem>>, %arg5: memref<1x128xf32, #tpu.memory_space<vmem>>, %arg6: memref<1x128xf32, #tpu.memory_space<vmem>>, %arg7: memref<1x128xf32, #tpu.memory_space<vmem>>, %arg8: memref<2000x128xf32, #tpu.memory_space<vmem>>) attributes {dimension_semantics = [#tpu.dimension_semantics<arbitrary>], iteration_bounds = array<i64: 160>, scalar_prefetch = 0 : i64, scratch_operands = 0 : i64, tpu.core_type = #tpu.core_type<tc>, window_params = [{transform_indices = @transform_0, window_bounds = array<i64: 2000, 128>}, {pipeline_mode = #tpu.pipeline_mode<synchronous>, transform_indices = @transform_1, window_bounds = array<i64: 128, 512>}, {pipeline_mode = #tpu.pipeline_mode<synchronous>, transform_indices = @transform_2, window_bounds = array<i64: 1, 512>}, {pipeline_mode = #tpu.pipeline_mode<synchronous>, transform_indices = @transform_3, window_bounds = array<i64: 512, 128>}, {pipeline_mode = #tpu.pipeline_mode<synchronous>, transform_indices = @transform_4, window_bounds = array<i64: 1, 128>}, {pipeline_mode = #tpu.pipeline_mode<synchronous>, transform_indices = @transform_5, window_bounds = array<i64: 1, 128>}, {pipeline_mode = #tpu.pipeline_mode<synchronous>, transform_indices = @transform_6, window_bounds = array<i64: 1, 128>}, {transform_indices = @transform_7, window_bounds = array<i64: 2000, 128>}]} {
    %get3A = arith.constant 0 : index
    %get3A_0 = arith.constant 0 : index
    %get3A_1 = vector.load %arg1[%get3A, %get3A_0] : memref<2000x128xf32, #tpu.memory_space<vmem>>, vector<2000x128xf32>
    %get3A_2 = arith.constant 0 : index
    %get3A_3 = arith.constant 0 : index
    %get3A_4 = vector.load %arg6[%get3A_2, %get3A_3] : memref<1x128xf32, #tpu.memory_space<vmem>>, vector<1x128xf32>
    %get3A_5 = arith.constant 0 : index
    %get3A_6 = arith.constant 0 : index
    %get3A_7 = vector.load %arg7[%get3A_5, %get3A_6] : memref<1x128xf32, #tpu.memory_space<vmem>>, vector<1x128xf32>
    %reduce_sum3A = arith.constant dense<0.000000e+00> : vector<2000xf32>
    %reduce_sum3A_8 = vector.multi_reduction <add>, %get3A_1, %reduce_sum3A [1] : vector<2000x128xf32> to vector<2000xf32>
    %broadcast_in_dim3A = vector.shape_cast %reduce_sum3A_8 : vector<2000xf32> to vector<2000x1xf32>
    %div3A = arith.constant 1.280000e+02 : f32
    %div3A_9 = vector.broadcast %div3A : f32 to vector<2000x1xf32>
    %div3A_10 = arith.divf %broadcast_in_dim3A, %div3A_9 : vector<2000x1xf32>
    %sub3A = vector.broadcast %div3A_10 : vector<2000x1xf32> to vector<2000x128xf32>
    %sub3A_11 = arith.subf %get3A_1, %sub3A : vector<2000x128xf32>
    %integer_pow3A = arith.mulf %sub3A_11, %sub3A_11 : vector<2000x128xf32>
    %reduce_sum3A_12 = arith.constant dense<0.000000e+00> : vector<2000xf32>
    %reduce_sum3A_13 = vector.multi_reduction <add>, %integer_pow3A, %reduce_sum3A_12 [1] : vector<2000x128xf32> to vector<2000xf32>
    %broadcast_in_dim3A_14 = vector.shape_cast %reduce_sum3A_13 : vector<2000xf32> to vector<2000x1xf32>
    %div3A_15 = arith.constant 1.280000e+02 : f32
    %div3A_16 = vector.broadcast %div3A_15 : f32 to vector<2000x1xf32>
    %div3A_17 = arith.divf %broadcast_in_dim3A_14, %div3A_16 : vector<2000x1xf32>
    %sub3A_18 = vector.broadcast %div3A_10 : vector<2000x1xf32> to vector<2000x128xf32>
    %sub3A_19 = arith.subf %get3A_1, %sub3A_18 : vector<2000x128xf32>
    %add3A = arith.constant 9.99999974E-6 : f32
    %add3A_20 = vector.broadcast %add3A : f32 to vector<2000x1xf32>
    %add3A_21 = arith.addf %div3A_17, %add3A_20 : vector<2000x1xf32>
    %sqrt3A = math.sqrt %add3A_21 : vector<2000x1xf32>
    %div3A_22 = vector.broadcast %sqrt3A : vector<2000x1xf32> to vector<2000x128xf32>
    %div3A_23 = arith.divf %sub3A_19, %div3A_22 : vector<2000x128xf32>
    %mul3A = vector.broadcast %get3A_4 : vector<1x128xf32> to vector<2000x128xf32>
    %mul3A_24 = arith.mulf %div3A_23, %mul3A : vector<2000x128xf32>
    %add3A_25 = vector.broadcast %get3A_7 : vector<1x128xf32> to vector<2000x128xf32>
    %add3A_26 = arith.addf %mul3A_24, %add3A_25 : vector<2000x128xf32>
    %get3A_27 = arith.constant 0 : index
    %get3A_28 = arith.constant 0 : index
    %get3A_29 = vector.load %arg2[%get3A_27, %get3A_28] : memref<128x512xf32, #tpu.memory_space<vmem>>, vector<128x512xf32>
    %dot_general3A = arith.constant dense<0.000000e+00> : vector<2000x512xf32>
    %dot_general3A_30 = tpu.matmul %add3A_26, %get3A_29, %dot_general3A {dimension_numbers = #tpu.dot_dimension_numbers<[1], [0], [0], [1], [0, 0, 1, 1], [], []>, transpose_lhs_hint = false} : vector<2000x128xf32>, vector<128x512xf32>, vector<2000x512xf32> -> vector<2000x512xf32>
    %get3A_31 = arith.constant 0 : index
    %get3A_32 = arith.constant 0 : index
    %get3A_33 = vector.load %arg3[%get3A_31, %get3A_32] : memref<1x512xf32, #tpu.memory_space<vmem>>, vector<1x512xf32>
    %add3A_34 = vector.broadcast %get3A_33 : vector<1x512xf32> to vector<2000x512xf32>
    %add3A_35 = arith.addf %dot_general3A_30, %add3A_34 : vector<2000x512xf32>
    %max3A = arith.constant 0.000000e+00 : f32
    %max3A_36 = vector.broadcast %max3A : f32 to vector<2000x512xf32>
    %max3A_37 = arith.maximumf %add3A_35, %max3A_36 : vector<2000x512xf32>
    %get3A_38 = arith.constant 0 : index
    %get3A_39 = arith.constant 0 : index
    %get3A_40 = vector.load %arg4[%get3A_38, %get3A_39] : memref<512x128xf32, #tpu.memory_space<vmem>>, vector<512x128xf32>
    %dot_general3A_41 = arith.constant dense<0.000000e+00> : vector<2000x128xf32>
    %dot_general3A_42 = tpu.matmul %max3A_37, %get3A_40, %dot_general3A_41 {dimension_numbers = #tpu.dot_dimension_numbers<[1], [0], [0], [1], [0, 0, 1, 1], [], []>, transpose_lhs_hint = false} : vector<2000x512xf32>, vector<512x128xf32>, vector<2000x128xf32> -> vector<2000x128xf32>
    %get3A_43 = arith.constant 0 : index
    %get3A_44 = arith.constant 0 : index
    %get3A_45 = vector.load %arg5[%get3A_43, %get3A_44] : memref<1x128xf32, #tpu.memory_space<vmem>>, vector<1x128xf32>
    %add3A_46 = vector.broadcast %get3A_45 : vector<1x128xf32> to vector<2000x128xf32>
    %add3A_47 = arith.addf %dot_general3A_42, %add3A_46 : vector<2000x128xf32>
    %add3A_48 = arith.addf %get3A_1, %add3A_47 : vector<2000x128xf32>
    %swap3A = arith.constant 0 : index
    %swap3A_49 = arith.constant 0 : index
    %swap3A_50 = vector.load %arg8[%swap3A, %swap3A_49] : memref<2000x128xf32, #tpu.memory_space<vmem>>, vector<2000x128xf32>
    tpu.vector_store %arg8[%swap3A, %swap3A_49], %add3A_48 {strides = array<i32>} : memref<2000x128xf32, #tpu.memory_space<vmem>>, vector<2000x128xf32>,
    return
  }
  func.func @transform_0(%arg0: i32) -> (i32, i32) {
    %c0_i32 = arith.constant 0 : i32
    %c0_i32_0 = arith.constant 0 : i32
    return %arg0, %c0_i32 : i32, i32
  }
  func.func @transform_1(%arg0: i32) -> (i32, i32) {
    %c0_i32 = arith.constant 0 : i32
    %c0_i32_0 = arith.constant 0 : i32
    %c0_i32_1 = arith.constant 0 : i32
    return %c0_i32, %c0_i32_0 : i32, i32
  }
  func.func @transform_2(%arg0: i32) -> (i32, i32) {
    %c0_i32 = arith.constant 0 : i32
    %c0_i32_0 = arith.constant 0 : i32
    %c0_i32_1 = arith.constant 0 : i32
    return %c0_i32, %c0_i32_0 : i32, i32
  }
  func.func @transform_3(%arg0: i32) -> (i32, i32) {
    %c0_i32 = arith.constant 0 : i32
    %c0_i32_0 = arith.constant 0 : i32
    %c0_i32_1 = arith.constant 0 : i32
    return %c0_i32, %c0_i32_0 : i32, i32
  }
  func.func @transform_4(%arg0: i32) -> (i32, i32) {
    %c0_i32 = arith.constant 0 : i32
    %c0_i32_0 = arith.constant 0 : i32
    %c0_i32_1 = arith.constant 0 : i32
    return %c0_i32, %c0_i32_0 : i32, i32
  }
  func.func @transform_5(%arg0: i32) -> (i32, i32) {
    %c0_i32 = arith.constant 0 : i32
    %c0_i32_0 = arith.constant 0 : i32
    %c0_i32_1 = arith.constant 0 : i32
    return %c0_i32, %c0_i32_0 : i32, i32
  }
  func.func @transform_6(%arg0: i32) -> (i32, i32) {
    %c0_i32 = arith.constant 0 : i32
    %c0_i32_0 = arith.constant 0 : i32
    %c0_i32_1 = arith.constant 0 : i32
    return %c0_i32, %c0_i32_0 : i32, i32
  }
  func.func @transform_7(%arg0: i32) -> (i32, i32) {
    %c0_i32 = arith.constant 0 : i32
    %c0_i32_0 = arith.constant 0 : i32
    return %arg0, %c0_i32 : i32, i32
  }
}

module attributes {stable_mosaic.version = 14 : i64} {
  func.func @_node_post_body(%arg0: i32, %arg1: memref<1x1000x128xf32, #tpu.memory_space<vmem>>, %arg2: memref<1x1000x128xf32, #tpu.memory_space<vmem>>, %arg3: memref<1000x128xf32, #tpu.memory_space<vmem>>, %arg4: memref<128x128xf32, #tpu.memory_space<vmem>>, %arg5: memref<1x128xf32, #tpu.memory_space<vmem>>, %arg6: memref<128x512xf32, #tpu.memory_space<vmem>>, %arg7: memref<1x512xf32, #tpu.memory_space<vmem>>, %arg8: memref<512x128xf32, #tpu.memory_space<vmem>>, %arg9: memref<1x128xf32, #tpu.memory_space<vmem>>, %arg10: memref<1x128xf32, #tpu.memory_space<vmem>>, %arg11: memref<1x128xf32, #tpu.memory_space<vmem>>, %arg12: memref<1000x128xf32, #tpu.memory_space<vmem>>) attributes {dimension_semantics = [#tpu.dimension_semantics<arbitrary>], iteration_bounds = array<i64: 10>, scalar_prefetch = 0 : i64, scratch_operands = 0 : i64, tpu.core_type = #tpu.core_type<tc>, window_params = [{transform_indices = @transform_0, window_bounds = array<i64: 1, 1000, 128>}, {transform_indices = @transform_1, window_bounds = array<i64: 1, 1000, 128>}, {transform_indices = @transform_2, window_bounds = array<i64: 1000, 128>}, {pipeline_mode = #tpu.pipeline_mode<synchronous>, transform_indices = @transform_3, window_bounds = array<i64: 128, 128>}, {pipeline_mode = #tpu.pipeline_mode<synchronous>, transform_indices = @transform_4, window_bounds = array<i64: 1, 128>}, {pipeline_mode = #tpu.pipeline_mode<synchronous>, transform_indices = @transform_5, window_bounds = array<i64: 128, 512>}, {pipeline_mode = #tpu.pipeline_mode<synchronous>, transform_indices = @transform_6, window_bounds = array<i64: 1, 512>}, {pipeline_mode = #tpu.pipeline_mode<synchronous>, transform_indices = @transform_7, window_bounds = array<i64: 512, 128>}, {pipeline_mode = #tpu.pipeline_mode<synchronous>, transform_indices = @transform_8, window_bounds = array<i64: 1, 128>}, {pipeline_mode = #tpu.pipeline_mode<synchronous>, transform_indices = @transform_9, window_bounds = array<i64: 1, 128>}, {pipeline_mode = #tpu.pipeline_mode<synchronous>, transform_indices = @transform_10, window_bounds = array<i64: 1, 128>}, {transform_indices = @transform_11, window_bounds = array<i64: 1000, 128>}]} {
    %get3A = arith.constant 0 : index
    %get3A_0 = arith.constant 0 : index
    %get3A_1 = arith.constant 0 : index
    %get3A_2 = vector.load %arg1[%get3A, %get3A_0, %get3A_1] : memref<1x1000x128xf32, #tpu.memory_space<vmem>>, vector<1x1000x128xf32>
    %get3A_3 = vector.shape_cast %get3A_2 : vector<1x1000x128xf32> to vector<1000x128xf32>
    %get3A_4 = arith.constant 0 : index
    %get3A_5 = arith.constant 0 : index
    %get3A_6 = arith.constant 0 : index
    %get3A_7 = vector.load %arg2[%get3A_4, %get3A_5, %get3A_6] : memref<1x1000x128xf32, #tpu.memory_space<vmem>>, vector<1x1000x128xf32>
    %get3A_8 = vector.shape_cast %get3A_7 : vector<1x1000x128xf32> to vector<1000x128xf32>
    %slice3A = vector.extract_strided_slice %get3A_3 {offsets = [0, 0], sizes = [1000, 64], strides = [1, 1]} : vector<1000x128xf32> to vector<1000x64xf32>
    %slice3A_9 = vector.extract_strided_slice %get3A_8 {offsets = [0, 0], sizes = [1000, 64], strides = [1, 1]} : vector<1000x128xf32> to vector<1000x64xf32>
    %concatenate3A = tpu.concatenate %slice3A, %slice3A_9 in 1 : vector<1000x64xf32>, vector<1000x64xf32> -> vector<1000x128xf32>
    %slice3A_10 = vector.extract_strided_slice %get3A_3 {offsets = [0, 64], sizes = [1000, 64], strides = [1, 1]} : vector<1000x128xf32> to vector<1000x64xf32>
    %slice3A_11 = vector.extract_strided_slice %get3A_8 {offsets = [0, 64], sizes = [1000, 64], strides = [1, 1]} : vector<1000x128xf32> to vector<1000x64xf32>
    %concatenate3A_12 = tpu.concatenate %slice3A_10, %slice3A_11 in 1 : vector<1000x64xf32>, vector<1000x64xf32> -> vector<1000x128xf32>
    %add3A = arith.constant 9.99999997E-7 : f32
    %add3A_13 = vector.broadcast %add3A : f32 to vector<1000x128xf32>
    %add3A_14 = arith.addf %concatenate3A_12, %add3A_13 : vector<1000x128xf32>
    %div3A = arith.divf %concatenate3A, %add3A_14 : vector<1000x128xf32>
    %get3A_15 = arith.constant 0 : index
    %get3A_16 = arith.constant 0 : index
    %get3A_17 = vector.load %arg4[%get3A_15, %get3A_16] : memref<128x128xf32, #tpu.memory_space<vmem>>, vector<128x128xf32>
    %dot_general3A = arith.constant dense<0.000000e+00> : vector<1000x128xf32>
    %dot_general3A_18 = tpu.matmul %div3A, %get3A_17, %dot_general3A {dimension_numbers = #tpu.dot_dimension_numbers<[1], [0], [0], [1], [0, 0, 1, 1], [], []>, transpose_lhs_hint = false} : vector<1000x128xf32>, vector<128x128xf32>, vector<1000x128xf32> -> vector<1000x128xf32>
    %get3A_19 = arith.constant 0 : index
    %get3A_20 = arith.constant 0 : index
    %get3A_21 = vector.load %arg5[%get3A_19, %get3A_20] : memref<1x128xf32, #tpu.memory_space<vmem>>, vector<1x128xf32>
    %add3A_22 = vector.broadcast %get3A_21 : vector<1x128xf32> to vector<1000x128xf32>
    %add3A_23 = arith.addf %dot_general3A_18, %add3A_22 : vector<1000x128xf32>
    %get3A_24 = arith.constant 0 : index
    %get3A_25 = arith.constant 0 : index
    %get3A_26 = vector.load %arg3[%get3A_24, %get3A_25] : memref<1000x128xf32, #tpu.memory_space<vmem>>, vector<1000x128xf32>
    %add3A_27 = arith.addf %add3A_23, %get3A_26 : vector<1000x128xf32>
    %get3A_28 = arith.constant 0 : index
    %get3A_29 = arith.constant 0 : index
    %get3A_30 = vector.load %arg10[%get3A_28, %get3A_29] : memref<1x128xf32, #tpu.memory_space<vmem>>, vector<1x128xf32>
    %get3A_31 = arith.constant 0 : index
    %get3A_32 = arith.constant 0 : index
    %get3A_33 = vector.load %arg11[%get3A_31, %get3A_32] : memref<1x128xf32, #tpu.memory_space<vmem>>, vector<1x128xf32>
    %reduce_sum3A = arith.constant dense<0.000000e+00> : vector<1000xf32>
    %reduce_sum3A_34 = vector.multi_reduction <add>, %add3A_27, %reduce_sum3A [1] : vector<1000x128xf32> to vector<1000xf32>
    %broadcast_in_dim3A = vector.shape_cast %reduce_sum3A_34 : vector<1000xf32> to vector<1000x1xf32>
    %div3A_35 = arith.constant 1.280000e+02 : f32
    %div3A_36 = vector.broadcast %div3A_35 : f32 to vector<1000x1xf32>
    %div3A_37 = arith.divf %broadcast_in_dim3A, %div3A_36 : vector<1000x1xf32>
    %sub3A = vector.broadcast %div3A_37 : vector<1000x1xf32> to vector<1000x128xf32>
    %sub3A_38 = arith.subf %add3A_27, %sub3A : vector<1000x128xf32>
    %integer_pow3A = arith.mulf %sub3A_38, %sub3A_38 : vector<1000x128xf32>
    %reduce_sum3A_39 = arith.constant dense<0.000000e+00> : vector<1000xf32>
    %reduce_sum3A_40 = vector.multi_reduction <add>, %integer_pow3A, %reduce_sum3A_39 [1] : vector<1000x128xf32> to vector<1000xf32>
    %broadcast_in_dim3A_41 = vector.shape_cast %reduce_sum3A_40 : vector<1000xf32> to vector<1000x1xf32>
    %div3A_42 = arith.constant 1.280000e+02 : f32
    %div3A_43 = vector.broadcast %div3A_42 : f32 to vector<1000x1xf32>
    %div3A_44 = arith.divf %broadcast_in_dim3A_41, %div3A_43 : vector<1000x1xf32>
    %sub3A_45 = vector.broadcast %div3A_37 : vector<1000x1xf32> to vector<1000x128xf32>
    %sub3A_46 = arith.subf %add3A_27, %sub3A_45 : vector<1000x128xf32>
    %add3A_47 = arith.constant 9.99999974E-6 : f32
    %add3A_48 = vector.broadcast %add3A_47 : f32 to vector<1000x1xf32>
    %add3A_49 = arith.addf %div3A_44, %add3A_48 : vector<1000x1xf32>
    %sqrt3A = math.sqrt %add3A_49 : vector<1000x1xf32>
    %div3A_50 = vector.broadcast %sqrt3A : vector<1000x1xf32> to vector<1000x128xf32>
    %div3A_51 = arith.divf %sub3A_46, %div3A_50 : vector<1000x128xf32>
    %mul3A = vector.broadcast %get3A_30 : vector<1x128xf32> to vector<1000x128xf32>
    %mul3A_52 = arith.mulf %div3A_51, %mul3A : vector<1000x128xf32>
    %add3A_53 = vector.broadcast %get3A_33 : vector<1x128xf32> to vector<1000x128xf32>
    %add3A_54 = arith.addf %mul3A_52, %add3A_53 : vector<1000x128xf32>
    %get3A_55 = arith.constant 0 : index
    %get3A_56 = arith.constant 0 : index
    %get3A_57 = vector.load %arg6[%get3A_55, %get3A_56] : memref<128x512xf32, #tpu.memory_space<vmem>>, vector<128x512xf32>
    %dot_general3A_58 = arith.constant dense<0.000000e+00> : vector<1000x512xf32>
    %dot_general3A_59 = tpu.matmul %add3A_54, %get3A_57, %dot_general3A_58 {dimension_numbers = #tpu.dot_dimension_numbers<[1], [0], [0], [1], [0, 0, 1, 1], [], []>, transpose_lhs_hint = false} : vector<1000x128xf32>, vector<128x512xf32>, vector<1000x512xf32> -> vector<1000x512xf32>
    %get3A_60 = arith.constant 0 : index
    %get3A_61 = arith.constant 0 : index
    %get3A_62 = vector.load %arg7[%get3A_60, %get3A_61] : memref<1x512xf32, #tpu.memory_space<vmem>>, vector<1x512xf32>
    %add3A_63 = vector.broadcast %get3A_62 : vector<1x512xf32> to vector<1000x512xf32>
    %add3A_64 = arith.addf %dot_general3A_59, %add3A_63 : vector<1000x512xf32>
    %max3A = arith.constant 0.000000e+00 : f32
    %max3A_65 = vector.broadcast %max3A : f32 to vector<1000x512xf32>
    %max3A_66 = arith.maximumf %add3A_64, %max3A_65 : vector<1000x512xf32>
    %get3A_67 = arith.constant 0 : index
    %get3A_68 = arith.constant 0 : index
    %get3A_69 = vector.load %arg8[%get3A_67, %get3A_68] : memref<512x128xf32, #tpu.memory_space<vmem>>, vector<512x128xf32>
    %dot_general3A_70 = arith.constant dense<0.000000e+00> : vector<1000x128xf32>
    %dot_general3A_71 = tpu.matmul %max3A_66, %get3A_69, %dot_general3A_70 {dimension_numbers = #tpu.dot_dimension_numbers<[1], [0], [0], [1], [0, 0, 1, 1], [], []>, transpose_lhs_hint = false} : vector<1000x512xf32>, vector<512x128xf32>, vector<1000x128xf32> -> vector<1000x128xf32>
    %get3A_72 = arith.constant 0 : index
    %get3A_73 = arith.constant 0 : index
    %get3A_74 = vector.load %arg9[%get3A_72, %get3A_73] : memref<1x128xf32, #tpu.memory_space<vmem>>, vector<1x128xf32>
    %add3A_75 = vector.broadcast %get3A_74 : vector<1x128xf32> to vector<1000x128xf32>
    %add3A_76 = arith.addf %dot_general3A_71, %add3A_75 : vector<1000x128xf32>
    %add3A_77 = arith.addf %add3A_27, %add3A_76 : vector<1000x128xf32>
    %swap3A = arith.constant 0 : index
    %swap3A_78 = arith.constant 0 : index
    %swap3A_79 = vector.load %arg12[%swap3A, %swap3A_78] : memref<1000x128xf32, #tpu.memory_space<vmem>>, vector<1000x128xf32>
    tpu.vector_store %arg12[%swap3A, %swap3A_78], %add3A_77 {strides = array<i32>} : memref<1000x128xf32, #tpu.memory_space<vmem>>, vector<1000x128xf32>,
    return
  }
  func.func @transform_0(%arg0: i32) -> (i32, i32, i32) {
    %c0_i32 = arith.constant 0 : i32
    %c0_i32_0 = arith.constant 0 : i32
    %c0_i32_1 = arith.constant 0 : i32
    return %c0_i32, %arg0, %c0_i32_0 : i32, i32, i32
  }
  func.func @transform_1(%arg0: i32) -> (i32, i32, i32) {
    %c1_i32 = arith.constant 1 : i32
    %c0_i32 = arith.constant 0 : i32
    %c0_i32_0 = arith.constant 0 : i32
    return %c1_i32, %arg0, %c0_i32 : i32, i32, i32
  }
  func.func @transform_2(%arg0: i32) -> (i32, i32) {
    %c0_i32 = arith.constant 0 : i32
    %c0_i32_0 = arith.constant 0 : i32
    return %arg0, %c0_i32 : i32, i32
  }
  func.func @transform_3(%arg0: i32) -> (i32, i32) {
    %c0_i32 = arith.constant 0 : i32
    %c0_i32_0 = arith.constant 0 : i32
    %c0_i32_1 = arith.constant 0 : i32
    return %c0_i32, %c0_i32_0 : i32, i32
  }
  func.func @transform_4(%arg0: i32) -> (i32, i32) {
    %c0_i32 = arith.constant 0 : i32
    %c0_i32_0 = arith.constant 0 : i32
    %c0_i32_1 = arith.constant 0 : i32
    return %c0_i32, %c0_i32_0 : i32, i32
  }
  func.func @transform_5(%arg0: i32) -> (i32, i32) {
    %c0_i32 = arith.constant 0 : i32
    %c0_i32_0 = arith.constant 0 : i32
    %c0_i32_1 = arith.constant 0 : i32
    return %c0_i32, %c0_i32_0 : i32, i32
  }
  func.func @transform_6(%arg0: i32) -> (i32, i32) {
    %c0_i32 = arith.constant 0 : i32
    %c0_i32_0 = arith.constant 0 : i32
    %c0_i32_1 = arith.constant 0 : i32
    return %c0_i32, %c0_i32_0 : i32, i32
  }
  func.func @transform_7(%arg0: i32) -> (i32, i32) {
    %c0_i32 = arith.constant 0 : i32
    %c0_i32_0 = arith.constant 0 : i32
    %c0_i32_1 = arith.constant 0 : i32
    return %c0_i32, %c0_i32_0 : i32, i32
  }
  func.func @transform_8(%arg0: i32) -> (i32, i32) {
    %c0_i32 = arith.constant 0 : i32
    %c0_i32_0 = arith.constant 0 : i32
    %c0_i32_1 = arith.constant 0 : i32
    return %c0_i32, %c0_i32_0 : i32, i32
  }
  func.func @transform_9(%arg0: i32) -> (i32, i32) {
    %c0_i32 = arith.constant 0 : i32
    %c0_i32_0 = arith.constant 0 : i32
    %c0_i32_1 = arith.constant 0 : i32
    return %c0_i32, %c0_i32_0 : i32, i32
  }
  func.func @transform_10(%arg0: i32) -> (i32, i32) {
    %c0_i32 = arith.constant 0 : i32
    %c0_i32_0 = arith.constant 0 : i32
    %c0_i32_1 = arith.constant 0 : i32
    return %c0_i32, %c0_i32_0 : i32, i32
  }
  func.func @transform_11(%arg0: i32) -> (i32, i32) {
    %c0_i32 = arith.constant 0 : i32
    %c0_i32_0 = arith.constant 0 : i32
    return %arg0, %c0_i32 : i32, i32
  }
}

</mosaic_0001>

<sc_bundles>
// kernel: kernel.12.cloned.1.call-start
scs
__scs_entry_jumppad:
0x0: {  	(pc) =	sbr.rel $0x88, $3  }
0x1: {  	(tag) =	ssettag $0x0;
	lr =	simm.s32 $0x1  }
0x2: {  	[smem:$0x3F7B] =	sst lr;
	_ =	strace $0xD0000000  }
0x3: {  	_ = 	snop  }
0x4: {  	_ = 	snop  }
0x5: {  	_ = 	snop  }
0x6: {  	_ = 	snop  }
0x7: {  	_ = 	snop  }
__scs_overlays_trampoline_lowered:
0x8: {  	[smem:$0x3F8A] =	sst s0  }
0x9: {  	[smem:$0x3F8B] =	sst s1  }
0xa: {  	[smem:$0x3F8C] =	sst s2  }
0xb: {  	[smem:$0x3F8D] =	sst s3  }
0xc: {  	[smem:$0x3F8E] =	sst s4  }
0xd: {  	[smem:$0x3F8F] =	sst s5  }
0xe: {  	[smem:$0x3F90] =	sst s6  }
0xf: {  	[smem:$0x3F91] =	sst s7  }
0x10: {  	[smem:$0x3F92] =	sst s8  }
0x11: {  	[smem:$0x3F93] =	sst s9;
	s0 =	simm.s32 @!p0 $0x0  }
0x12: {  	s1 =	sld [smem:$0x3F79];
	s0 =	simm.s32 @p0 $0x1  }
0x13: {  	[smem:$0x3F94] =	sst s0;
	s0 =	simm.s32 @!p1 $0x0  }
0x14: {  	s2 =	sld [smem:$0x3F78];
	s0 =	simm.s32 @p1 $0x1  }
0x15: {  	[smem:$0x3F95] =	sst s0;
	s0 =	simm.s32 @!p2 $0x0  }
0x16: {  	s3 =	sld [smem:$0x3FDB];
	s0 =	simm.s32 @p2 $0x1  }
0x17: {  	s4 =	simm.s32 $0x1BF5;
	[smem:$0x3F97] =	sst s0  }
0x18: {  	s0 =	sld [smem:$0x3F7A];
	_ =	swait.ge [sflag:s4], $0x0  }
0x19: {  	s7 =	sld [smem:$0x3F7B]  }
0x1a: {  	s8 =	sadd.s32 $0xFFFFE003, lr  }
0x1b: {  	s9 =	sadd.s32 $0xFFFFFEF7, lr;
	s5 =	simm.s32 $0xFFFFFFFF;
	p2 =	slt.u32 s8, $0xFFFFF086  }
0x1c: {  	p1 =	slt.u32 s9, $0xF7A;
	s5 =	simm.s32 @!p2 $0x0  }
0x1d: {  	s5 =	simm.s32 @p1 $0x1;
	p0 =	seq.s32 s7, s2  }
0x1e: {  	s7 =	smul.u32 @!p0 $0xF7A, s2;
	p2 =	seq.s32 @!p0 s5, $0x0  }
0x1f: {  	s9 =	smul.u32 $0xF7A, s1;
	s8 =	simm.s32 @!p0 $0x1BF5;
	p2 =	por !p2, p0  }
0x20: {  	[sflag:s8] =	ssyncset.s32 @!p0 $0xFFFFF086;
	s6 =	sadd.s32 @!p0 s3, s7;
	s7 =	simm.s32 @!p0 $0x108  }
0x21: {  	s3 =	sadd.s32 s3, s9;
	s6 =	sadd.s32 @!p0 $0x88, s6;
	s7 =	simm.s32 @p2 $0x1082  }
0x22: {  	[simem:s7], [sflag:s8] =	dma.local @!p0 [hbm:s6], $0xF7A  }
0x23: {  	s9 =	sor.u32 $0xD0000000, s2;
	s6 =	simm.s32 $0x108;
	_ =	swait.ge @!p0 [sflag:s8], $0x0  }
0x24: {  	s3 =	sadd.s32 $0x88, s3;
	s6 =	simm.s32 @!p1 $0x1082;
	[sflag:s4] =	ssyncset.s32 $0xFFFFF086  }
0x25: {  	[simem:s6], [sflag:s4] =	dma.local [hbm:s3], $0xF7A  }
0x26: {  	[smem:$0x3F7B] =	sst s1;
	(tag) =	ssettag s2;
	_ =	strace s9  }
0x27: {  	s1 =	sld [smem:$0x3F8B]  }
0x28: {  	s2 =	sld [smem:$0x3F8C]  }
0x29: {  	s4 =	sld [smem:$0x3F8E]  }
0x2a: {  	p0 =	seq.s32 s5, $0x0;
	s5 =	sld [smem:$0x3F8F]  }
0x2b: {  	s6 =	sld [smem:$0x3F90]  }
0x2c: {  	s7 =	sld [smem:$0x3F91]  }
0x2d: {  	s3 =	simm.s32 $0x108;
	s8 =	sld [smem:$0x3F92]  }
0x2e: {  	s3 =	simm.s32 @!p0 $0x1082;
	s9 =	sld [smem:$0x3F93]  }
0x2f: {  	lr =	sadd.s32 s0, s3;
	s0 =	sld [smem:$0x3F8A]  }
0x30: {  	s3 =	sld [smem:$0x3F8D]  }
0x31: {  	[smem:$0x3F96] =	sst s10  }
0x32: {  	s10 =	sld [smem:$0x3F94];
	_ =	sdelay $0x3  }
0x33: {  	p0 =	seq.s32 s10, $0x1;
	s10 =	sld [smem:$0x3F96];
	_ =	sdelay $0x3  }
0x34: {  	[smem:$0x3F96] =	sst s10  }
0x35: {  	s10 =	sld [smem:$0x3F95];
	_ =	sdelay $0x3  }
0x36: {  	p1 =	seq.s32 s10, $0x1;
	s10 =	sld [smem:$0x3F96];
	_ =	sdelay $0x3  }
0x37: {  	[smem:$0x3F96] =	sst s10  }
0x38: {  	s10 =	sld [smem:$0x3F97]  }
0x39: {  	_ = 	snop;
	(pc) =	sbr.ind lr, $3  }
0x3a: {  	_ = 	snop  }
0x3b: {  	_ = 	snop  }
0x3c: {  	p2 =	seq.s32 s10, $0x1;
	s10 =	sld [smem:$0x3F96]  }
0x3d: {  	_ =	shalt  }
0x3e: {  	_ =	shalt  }
0x3f: {  	_ =	shalt  }
0x40: {  	_ =	shalt  }
0x41: {  	_ =	shalt  }
0x42: {  	_ =	shalt  }
0x43: {  	_ =	shalt  }
0x44: {  	_ =	shalt  }
0x45: {  	_ =	shalt  }
0x46: {  	_ =	shalt  }
0x47: {  	_ =	shalt  }
0x48: {  	_ =	shalt  }
0x49: {  	_ =	shalt  }
0x4a: {  	_ =	shalt  }
0x4b: {  	_ =	shalt  }
0x4c: {  	_ =	shalt  }
0x4d: {  	_ =	shalt  }
0x4e: {  	_ =	shalt  }
0x4f: {  	_ =	shalt  }
0x50: {  	_ =	shalt  }
0x51: {  	_ =	shalt  }
0x52: {  	_ =	shalt  }
0x53: {  	_ =	shalt  }
0x54: {  	_ =	shalt  }
0x55: {  	_ =	shalt  }
0x56: {  	_ =	shalt  }
0x57: {  	_ =	shalt  }
0x58: {  	_ =	shalt  }
0x59: {  	_ =	shalt  }
0x5a: {  	_ =	shalt  }
0x5b: {  	_ =	shalt  }
0x5c: {  	_ =	shalt  }
0x5d: {  	_ =	shalt  }
0x5e: {  	_ =	shalt  }
0x5f: {  	_ =	shalt  }
0x60: {  	_ =	shalt  }
0x61: {  	_ =	shalt  }
0x62: {  	_ =	shalt  }
0x63: {  	_ =	shalt  }
0x64: {  	_ =	shalt  }
0x65: {  	_ =	shalt  }
0x66: {  	_ =	shalt  }
0x67: {  	_ =	shalt  }
0x68: {  	_ =	shalt  }
0x69: {  	_ =	shalt  }
0x6a: {  	_ =	shalt  }
0x6b: {  	_ =	shalt  }
0x6c: {  	_ =	shalt  }
0x6d: {  	_ =	shalt  }
0x6e: {  	_ =	shalt  }
0x6f: {  	_ =	shalt  }
0x70: {  	_ =	shalt  }
0x71: {  	_ =	shalt  }
0x72: {  	_ =	shalt  }
0x73: {  	_ =	shalt  }
0x74: {  	_ =	shalt  }
0x75: {  	_ =	shalt  }
0x76: {  	_ =	shalt  }
0x77: {  	_ =	shalt  }
0x78: {  	_ =	shalt  }
0x79: {  	_ =	shalt  }
0x7a: {  	_ =	shalt  }
0x7b: {  	_ =	shalt  }
0x7c: {  	_ =	shalt  }
0x7d: {  	_ =	shalt  }
0x7e: {  	_ =	shalt  }
0x7f: {  	_ =	shalt  }
0x80: {  	_ =	shalt  }
0x81: {  	_ =	shalt  }
0x82: {  	_ =	shalt  }
0x83: {  	_ =	shalt  }
0x84: {  	_ =	shalt  }
0x85: {  	_ =	shalt  }
0x86: {  	_ =	shalt  }
0x87: {  	_ =	shalt  }
.Lfunc_end0:
.L_simem_size_0:
called_computation.1_lowered:
.L_overlay_start_0:
0x88: {  	s2 =	sld [smem:$0x3FD9]  }
0x89: {  	s3 =	sld [smem:$0x3FFE];
	_ =	sdelay $0x1  }
0x8a: {  	s1 =	srdreg.scid  }
0x8b: {  	s0 =	sand.u32 $0x1, s1  }
0x8c: {  	s14 =	sshll.u32 s0, $0xA;
	s2 =	sadd.s32 s3, s2  }
0x8d: {  	s2 =	sadd.s32 s2, s14  }
0x8e: {  	[smem:$0x3FA2] =	sst s2  }
0x8f: {  	_ = 	snop  }
0x90: {  	s2 =	sld [smem:$0x3FD0];
	_ =	sdelay $0x2  }
0x91: {  	s15 =	simm.s32 $0xA;
	s4 =	simm.s32 $0x10  }
0x92: {  	[smem:s4], [sflag:s15] =	dma.local [hbm:s2], $0x1  }
0x93: {  	_ =	swait.eq [sflag:s15], $0x1  }
0x94: {  	[sflag:s15] =	ssyncset.done $0x0  }
0x95: {  	[sflag:s15] =	ssyncadd.s32 $0xFFFFFFFF  }
0x96: {  	s16 =	sld [smem:$0x10];
	(tm) =	ssettm $0x1  }
0x97: {  	s17 =	sld [smem:$0x3FFB];
	_ =	sdelay $0x3  }
0x98: {  	_ =	strace s17  }
0x99: {  	s3 =	sld [smem:$0x3FFC];
	_ =	sdelay $0x3  }
0x9a: {  	_ =	strace s3  }
0x9b: {  	s3 =	sld [smem:$0x3FFD];
	_ =	sdelay $0x3  }
0x9c: {  	_ =	strace s3  }
0x9d: {  	_ =	strace $0x8FFFFFFF  }
0x9e: {  	s18 =	sld [smem:$0x3FDB];
	_ =	sdelay $0x1  }
0x9f: {  	s19 =	simm.s32 $_scs_section_size  }
0xa0: {  	s5 =	simm.s32 $_size__tile_overlayer_lowered;
	s6 =	simm.s32 $_tile_overlayer_lowered  }
0xa1: {  	s22 =	simm.s32 $0x1BFF;
	s21 =	sshll.u32 s6, $0x1;
	s3 =	sadd.s32 s19, s18  }
0xa2: {  	s7 =	simm.s32 $0x0;
	s20 =	sshll.u32 s5, $0x1;
	s5 =	sadd.s32 s21, s3  }
0xa3: {  	[timem:s7], [sflag:s22] =	dma.local [hbm:s5], s20  }
0xa4: {  	_ =	swait.ge [sflag:s22], s20  }
0xa5: {  	s4 =	ssub.s32 $0x0, s20;
	[sflag:s22] =	ssyncset.done $0x0  }
0xa6: {  	[sflag:s22] =	ssyncadd.s32 s4;
	_ =	sdelay $0x1  }
0xa7: {  	s23 =	simm.s32 $0x1B8B  }
0xa8: {  	_ =	swait.ge [sflag:s23], $0x1  }
0xa9: {  	[sflag:s23] =	ssyncset.done $0x0  }
0xaa: {  	s25 =	simm.s32 $0x1B8E;
	s24 =	sld [smem:$0x3FFE];
	[sflag:s23] =	ssyncadd.s32 $0xFFFFFFFF  }
0xab: {  	s26 =	simm.s32 $execute0_lowered;
	[smem:$0x3FD2] =	sst s25  }
0xac: {  	s5 =	sshll.u32 s26, $0x1;
	_ =	strace $0x80000049;
	[dreg:$0x1] =	wrdreg $0xFFFFFFFF  }
0xad: {  	s28 =	simm.s32 $_size_execute0_lowered;
	s3 =	sadd.s32 s3, s5;
	[dreg:$0x0] =	wrdreg $0x0  }
0xae: {  	s5 =	sshll.u32 s28, $0x1;
	[dreg:$0x2] =	wrdreg s3  }
0xaf: {  	[dreg:$0x3] =	wrdreg s5  }
0xb0: {  	[dreg:$0x4] =	wrdreg $0xC0  }
0xb1: {  	_ =	task [dreg:s7], $0x5FFFF  }
0xb2: {  	[dreg:$0x1] =	wrdreg $0xFFFFFFFF  }
0xb3: {  	[dreg:$0x0] =	wrdreg $0x60  }
0xb4: {  	[dreg:$0x2] =	wrdreg s16  }
0xb5: {  	[dreg:$0x3] =	wrdreg s24  }
0xb6: {  	[dreg:$0x4] =	wrdreg $0x0  }
0xb7: {  	[dreg:$0x5] =	wrdreg $0x9  }
0xb8: {  	_ =	task.clear_ibuf [dreg:s7], $0x6FFFF;
	_ =	strace $0x90000049  }
0xb9: {  	s29 =	simm.s32 $0x9;
	_ =	strace $0x8000004B  }
0xba: {  	_ =	swait.ge [sflag:s29], $0x1  }
0xbb: {  	[sflag:s29] =	ssyncadd.s32 $0xFFFFFFFF  }
0xbc: {  	_ =	strace $0x9000004B  }
0xbd: {  	_ =	sfence  }
0xbe: {  	s30 =	sld [smem:$0x0];
	_ =	sdelay $0x2  }
0xbf: {  	s31 =	sshll.u32 s1, $0xD;
	s1 =	sshrl.u32 s1, $0x2  }
0xc0: {  	s3 =	sand.u32 $0x4000, s31;
	s1 =	sadd.s32 s1, s30  }
0xc1: {  	s0 =	sor.u32 s3, s0;
	s1 =	sshll.u32 s1, $0x11  }
0xc2: {  	s0 =	sor.u32 s1, s0  }
0xc3: {  	s0 =	sadd.s32 $0x8F2B, s0  }
0xc4: {  	[sflag:s0] =	ssyncadd.remote.s32 $0x1  }
0xc5: {  	_ =	sfence.sel $0xFFFF  }
0xc6: {  	[dreg:$0x0] =	wrdreg $0xFFFFFFFF;
	(pc) =	sbr.abs _section_cstart, $3  }
0xc7: {  	[dreg:$0x1] =	wrdreg $0xFFFFFFFF  }
0xc8: {  	_ =	task.clear_ibuf [dreg:s7], $0x2FFFF;
	_ =	strace $0x9FFFFFFF  }
0xc9: {  	(tm) =	ssettm $0x7FFFFFFF  }
tec
execute0_lowered:
.L_overlay_start_1:
0x0: {  	(tag) =	ssettag $0x1  }
0x1: {  	s1 =	rddreg [dreg:$0x0]  }
0x2: {  	s7 =	rddreg [dreg:$0x1]  }
0x3: {  	s2 =	rddreg [dreg:$0x2]  }
0x4: {  	s0 =	rddreg [dreg:$0x3]  }
0x5: {  	s4 =	simm.s32 $0x0;
	s6 =	srdreg.scid;
	s3 =	stileid.u32  }
0x6: {  	s17 =	simm.s32 $0xA0;
	s18 =	simm.s32 $0x4E200;
	s19 =	simm.s32 $0x13880  }
0x7: {  	s20 =	simm.s32 $0x139C0;
	s21 =	simm.s32 $0x1;
	s22 =	simm.s32 $0x13920  }
0x8: {  	s23 =	simm.s32 $0x0;
	[smem:$0x7FF] =	sst s4;
	s5 =	sadd.s32 $0xA2BC00, s7  }
0x9: {  	s12 =	sand.u32 $0x1, s6;
	s8 =	smul.u32 $0x4E000, s3;
	s6 =	sadd.s32 $0x5E00, s7  }
0xa: {  	s13 =	sadd.s32 $0x19800, s7;
	s11 =	smul.u32 $0x13800, s3;
	p1 =	sne.s32 s3, $0xF  }
0xb: {  	p2 =	seq.s32 s3, $0xF;
	_ =	strace $0x8000004A;
	s31 =	ssub.s32 $0x2, s12  }
0xc: {  	s15 =	smul.u32 $0x138800, s12;
	p0 =	seq.s32 s12, $0x1;
	s9 =	sshrl.u32 s31, $0x1  }
0xd: {  	s8 =	sshrl.u32 s8, $0x2;
	s7 =	sadd.s32 s11, s2;
	s14 =	ssub.s32 s31, s9  }
.Ltmp0:
0xe: {  	s10 =	sadd.s32 s8, s2;
	s16 =	sadd.s32 s11, s15;
	(pc) =	sbr.rel .LBB2_1-.Ltmp0, $4  }
0xf: {  	s15 =	sshrl.u32 s15, $0x3;
	s11 =	smul.u32 $0x4E20, s3;
	s8 =	sadd.s32 $0x5000, s10  }
0x10: {  	s9 =	sadd.s32 $0xA000, s10;
	s10 =	sadd.s32 $0xF000, s10;
	s16 =	sshrl.u32 s16, $0x3  }
0x11: {  	s15 =	sadd.s32 s13, s15;
	s14 =	smax.u32 s14, $0x1;
	s12 =	sadd.s32 s13, s16  }
0x12: {  	v0 =	vimm.f32 $0.0e+00;
	s13 =	sadd.s32 $0x24900, s15;
	s15 =	simm.s32 $0x189C0;
	s16 =	simm.s32 $0x2  }
.LBB2_12:
0x13: {  	[bflag:$0x0] =	sbarrier.arrive $0xFFFF;
	s24 =	sshrl.u32 @p2 s7, $0x3;
	s25 =	simm.s32 @p2 $0x1FC2  }
0x14: {  	[hbm:s13], [sflag:s25] =	dma.local @p2 [spmem:s24], $0x2800  }
0x15: {  	s24 =	simm.s32 @p2 $0x2  }
0x16: {  	s23 =	sadd.s32 $0x1, s23;
	_ =	swait.ge @p2 [sflag:s24], $0x2800  }
0x17: {  	s25 =	sshll.u32 @!p2 s3, $0x6;
	p3 =	sne.s32 s23, s14;
	[sflag:s24] =	ssyncset.done @p2 $0x0  }
0x18: {  	[sflag:s24] =	ssyncadd.s32 @p2 $0xFFFFD800;
	s24 =	sor.u32 @!p2 $0x1C02, s25;
	s25 =	sshrl.u32 @!p2 s7, $0x3  }
0x19: {  	[hbm:s12], [sflag:s24] =	dma.local @!p2 [spmem:s25], $0x2700  }
.Ltmp1:
0x1a: {  	_ = 	snop;
	(pc) =	sbr.rel @!p3 .LBB2_13-.Ltmp1, $4  }
0x1b: {  	s24 =	simm.s32 @!p2 $0x2  }
0x1c: {  	_ =	swait.ge @!p2 [sflag:s24], $0x2700  }
0x1d: {  	[sflag:s24] =	ssyncset.done @!p2 $0x0  }
0x1e: {  	[sflag:s24] =	ssyncadd.s32 @!p2 $0xFFFFD900  }
.LBB2_1:
0x1f: {  	s24 =	simm.s32 $0x0;
	s25 =	simm.s32 $0x200  }
.LBB2_2:
0x20: {  	p3 =	sne.s32 s25, $0x13E00;
	[tilespmem:s24+$0x18A30] =	vst v0  }
0x21: {  	[tilespmem:s24+$0x189C0] =	vst v0  }
0x22: {  	[tilespmem:s24+$0x189D0] =	vst v0  }
.Ltmp2:
0x23: {  	[tilespmem:s24+$0x189E0] =	vst v0;
	(pc) =	sbr.rel @p3 .LBB2_2-.Ltmp2, $4  }
0x24: {  	[tilespmem:s24+$0x189F0] =	vst v0  }
0x25: {  	[tilespmem:s24+$0x18A00] =	vst v0  }
0x26: {  	[tilespmem:s24+$0x18A10] =	vst v0  }
0x27: {  	[tilespmem:s24+$0x18A20] =	vst v0;
	s24 =	sshra.s32 s25, $0x2;
	s25 =	sadd.s32 $0x200, s25  }
0x28: {  	[tilespmem:s24+$0x18A30] =	vst v0  }
0x29: {  	[tilespmem:s24+$0x189C0] =	vst v0  }
0x2a: {  	[tilespmem:s24+$0x189D0] =	vst v0  }
0x2b: {  	[tilespmem:s24+$0x189E0] =	vst v0  }
0x2c: {  	[tilespmem:s24+$0x189F0] =	vst v0  }
0x2d: {  	[tilespmem:s24+$0x18A00] =	vst v0  }
0x2e: {  	[tilespmem:s24+$0x18A10] =	vst v0  }
0x2f: {  	[tilespmem:s24+$0x18A20] =	vst v0  }
0x30: {  	[spmem:s7] =	stream.linear.scatter [tilespmem:s15], [sflag:$0x2], $0x5000, $0x38;
	[tilespmem:$0x1D9C0] =	vst v63  }
0x31: {  	_ =	swait.ge [sflag:s16], $0x5000  }
0x32: {  	[sflag:s16] =	ssyncset.done $0x0  }
0x33: {  	[sflag:s16] =	ssyncadd.s32 $0xFFFFB000  }
0x34: {  	[spmem:s8] =	stream.linear.scatter [tilespmem:s15], [sflag:$0x2], $0x5000, $0x38;
	[tilespmem:$0x1D9C0] =	vst v63  }
0x35: {  	_ =	swait.ge [sflag:s16], $0x5000  }
0x36: {  	[sflag:s16] =	ssyncset.done $0x0  }
0x37: {  	[sflag:s16] =	ssyncadd.s32 $0xFFFFB000  }
0x38: {  	[spmem:s9] =	stream.linear.scatter [tilespmem:s15], [sflag:$0x2], $0x5000, $0x38;
	[tilespmem:$0x1D9C0] =	vst v63  }
0x39: {  	_ =	swait.ge [sflag:s16], $0x5000  }
0x3a: {  	[sflag:s16] =	ssyncset.done $0x0  }
0x3b: {  	[sflag:s16] =	ssyncadd.s32 $0xFFFFB000  }
0x3c: {  	[spmem:s10] =	stream.linear.scatter [tilespmem:s15], [sflag:$0x2], $0x4800, $0x38;
	[tilespmem:$0x1D9C0] =	vst v63  }
0x3d: {  	_ =	swait.ge [sflag:s16], $0x4800  }
0x3e: {  	[sflag:s16] =	ssyncset.done $0x0  }
0x3f: {  	s24 =	simm.s32 @!p1 $0x189C0;
	[sflag:s16] =	ssyncadd.s32 $0xFFFFB800  }
0x40: {  	[spmem:s10] =	stream.linear.scatter @!p1 [tilespmem:s24], [sflag:$0x2], $0x5000, $0x38;
	[tilespmem:$0x1D9C0] =	vst v63  }
0x41: {  	s24 =	simm.s32 @!p1 $0x2  }
.Ltmp3:
0x42: {  	_ =	swait.ge @!p1 [sflag:s24], $0x5000;
	(pc) =	sbr.rel .LBB2_4-.Ltmp3, $4  }
0x43: {  	[sflag:s24] =	ssyncset.done @!p1 $0x0  }
0x44: {  	[sflag:s24] =	ssyncadd.s32 @!p1 $0xFFFFB000  }
0x45: {  	[bflag:$0x0] =	sbarrier.arrive $0xFFFF  }
0x46: {  	s24 =	simm.s32 $0x0  }
.LBB2_7:
0x47: {  	[tilespmem:s25+$0xB0] =	vst v8  }
0x48: {  	[tilespmem:s25+$0xFFFFFFF0] =	vst v3  }
0x49: {  	v6 =	vmul.f32 v6, v3;
	[tilespmem:s25+$0x70] =	vst v4  }
0x4a: {  	v3 =	vmul.f32 v7, v4;
	[tilespmem:s25+$0xF0] =	vst v1  }
0x4b: {  	v2 =	vmul.f32 v5, v2;
	[tilespmem:s25+$0xFFFFFFB0] =	vst v6  }
0x4c: {  	[tilespmem:s25+$0x30] =	vst v3  }
0x4d: {  	[tilespmem:s25+$0xFFFFFF30] =	vst v2  }
.LBB2_11:
0x4e: {  	s24 =	sadd.s32 $0x1, s24  }
0x4f: {  	p3 =	sne.s32 s24, $0x7D  }
.Ltmp4:
0x50: {  	_ = 	snop;
	(pc) =	sbr.rel @!p3 .LBB2_12-.Ltmp4, $4  }
0x51: {  	[spmem:s2] =	stream.indirect.scatter.add.f32 [tilespmem:s15], [sflag:$0x2], $0x80, s22, s17, $0xb8;
	[tilespmem:$0x1D9C0] =	vst v63  }
0x52: {  	_ =	swait.ge [sflag:s16], $0x5000  }
0x53: {  	[sflag:s16] =	ssyncset.done $0x0  }
0x54: {  	[sflag:s16] =	ssyncadd.s32 $0xFFFFB000  }
.LBB2_4:
0x55: {  	s25 =	smul.u32 $0xA0, s24;
	_ =	sdelay $0x1  }
0x56: {  	s25 =	sadd.s32 s11, s25  }
0x57: {  	s26 =	sshrl.u32 s25, $0x3  }
0x58: {  	s26 =	sadd.s32 s6, s26  }
0x59: {  	[tilespmem:s19], [sflag:$0x2] =	stream.strided.gather [hbm4b:s26+s17], $0x140, s18, s17, $0x38;
	[tilespmem:$0x1D9C0] =	vst v63  }
0x5a: {  	_ =	swait.ge [sflag:s16], $0x140  }
0x5b: {  	[sflag:s16] =	ssyncset.done $0x0  }
0x5c: {  	s25 =	sshll.u32 s25, $0x4;
	[sflag:s16] =	ssyncadd.s32 $0xFFFFFEC0  }
0x5d: {  	[tilespmem:s20], [sflag:$0x1] =	stream.indirect.gather [hbm4b:s1+s17], $0x80, s19, s17, $0xb8;
	[tilespmem:$0x1D9C0] =	vst v63  }
0x5e: {  	s25 =	sadd.s32 s5, s25  }
0x5f: {  	[tilespmem:s15], [sflag:$0x2] =	stream.linear.gather [hbm4b:s25+s4], $0x5000, $0x38;
	[tilespmem:$0x1D9C0] =	vst v63  }
0x60: {  	_ =	swait.ge [sflag:s16], $0x5000  }
.Ltmp5:
0x61: {  	[sflag:s16] =	ssyncset.done $0x0;
	(pc) =	sbr.rel @!p0 .LBB2_5-.Ltmp5, $4  }
0x62: {  	[sflag:s16] =	ssyncadd.s32 $0xFFFFB000  }
0x63: {  	_ =	swait.ge [sflag:s21], $0x5000  }
0x64: {  	s28 =	simm.s32 $0x13B00;
	[sflag:s21] =	ssyncset.done $0x0  }
0x65: {  	s26 =	simm.s32 $0x13AC0;
	s25 =	simm.s32 $0x18AC0;
	[sflag:s21] =	ssyncadd.s32 $0xFFFFB000  }
0x66: {  	v1 =	vld [tilespmem:s25+$0xC0]  }
0x67: {  	v2 =	vld [tilespmem:s28+$0x80]  }
0x68: {  	v3 =	vld [tilespmem:s25+$0xFFFFFFC0]  }
0x69: {  	v4 =	vld [tilespmem:s28+$0xFFFFFF80]  }
0x6a: {  	v5 =	vld [tilespmem:s25+$0x40]  }
0x6b: {  	v6 =	vld [tilespmem:s28+$0x0]  }
0x6c: {  	v7 =	vld [tilespmem:s25+$0xFFFFFF40];
	v1 =	vmul.f32 v2, v1  }
0x6d: {  	v2 =	vld [tilespmem:s28+$0xFFFFFF00]  }
0x6e: {  	[tilespmem:s25+$0x80] =	vst v1;
	v1 =	vld [tilespmem:s25+$0xD0]  }
0x6f: {  	v3 =	vmul.f32 v4, v3;
	v4 =	vld [tilespmem:s28+$0x90]  }
0x70: {  	v8 =	vld [tilespmem:s25+$0xFFFFFF50]  }
0x71: {  	[tilespmem:s25+$0xFFFFFF80] =	vst v3;
	v3 =	vmul.f32 v6, v5;
	v5 =	vld [tilespmem:s25+$0xFFFFFFD0]  }
0x72: {  	v6 =	vld [tilespmem:s28+$0xFFFFFF90];
	v2 =	vmul.f32 v2, v7  }
0x73: {  	[tilespmem:s25+$0x0] =	vst v3;
	v3 =	vld [tilespmem:s25+$0x50]  }
0x74: {  	v7 =	vld [tilespmem:s28+$0x10];
	[tilespmem:s25+$0xFFFFFF00] =	vst v2;
	v1 =	vmul.f32 v4, v1  }
0x75: {  	v2 =	vld [tilespmem:s28+$0xFFFFFF10]  }
0x76: {  	[tilespmem:s25+$0x90] =	vst v1;
	v1 =	vld [tilespmem:s25+$0xE0]  }
0x77: {  	v4 =	vmul.f32 v6, v5;
	v5 =	vld [tilespmem:s28+$0xA0]  }
0x78: {  	v6 =	vld [tilespmem:s25+$0xFFFFFF60]  }
0x79: {  	[tilespmem:s25+$0xFFFFFF90] =	vst v4;
	v3 =	vmul.f32 v7, v3;
	v4 =	vld [tilespmem:s25+$0xFFFFFFE0]  }
0x7a: {  	v7 =	vld [tilespmem:s28+$0xFFFFFFA0];
	v2 =	vmul.f32 v2, v8  }
0x7b: {  	[tilespmem:s25+$0x10] =	vst v3;
	v3 =	vld [tilespmem:s25+$0x60]  }
0x7c: {  	v8 =	vld [tilespmem:s28+$0x20];
	[tilespmem:s25+$0xFFFFFF10] =	vst v2;
	v1 =	vmul.f32 v5, v1  }
0x7d: {  	v5 =	vld [tilespmem:s28+$0xFFFFFF20]  }
0x7e: {  	v9 =	vld [tilespmem:s25+$0xF0];
	[tilespmem:s25+$0xA0] =	vst v1  }
0x7f: {  	v2 =	vmul.f32 v7, v4;
	v7 =	vld [tilespmem:s28+$0xB0]  }
0x80: {  	v1 =	vld [tilespmem:s25+$0xFFFFFF70]  }
0x81: {  	[tilespmem:s25+$0xFFFFFFA0] =	vst v2;
	v3 =	vmul.f32 v8, v3;
	v2 =	vld [tilespmem:s25+$0xFFFFFFF0]  }
0x82: {  	v4 =	vld [tilespmem:s28+$0xFFFFFFB0];
	v5 =	vmul.f32 v5, v6  }
0x83: {  	[tilespmem:s25+$0x20] =	vst v3;
	v3 =	vld [tilespmem:s25+$0x70]  }
0x84: {  	[tilespmem:s25+$0xFFFFFF20] =	vst v5;
	v5 =	vld [tilespmem:s28+$0x30];
	v7 =	vmul.f32 v7, v9  }
0x85: {  	s26 =	simm.s32 $0x0;
	s29 =	simm.s32 $0x18CC0;
	v6 =	vld [tilespmem:s28+$0xFFFFFF30]  }
.LBB2_9:
0x86: {  	v8 =	vld [tilespmem:s29+$0xC0];
	[tilespmem:s25+$0xB0] =	vst v7;
	s28 =	sadd.s32 $0x200, s28  }
0x87: {  	s26 =	sadd.s32 $0x4, s26;
	v7 =	vld [tilespmem:s28+$0x80];
	v2 =	vmul.f32 v4, v2  }
0x88: {  	p3 =	slt.u32 s26, $0x9C;
	v4 =	vld [tilespmem:s28+$0xFFFFFF00]  }
0x89: {  	v9 =	vld [tilespmem:s29+$0xFFFFFFC0];
	[tilespmem:s25+$0xFFFFFFB0] =	vst v2;
	v2 =	vmul.f32 v5, v3  }
0x8a: {  	v3 =	vld [tilespmem:s28+$0xFFFFFF80];
	v1 =	vmul.f32 v6, v1  }
0x8b: {  	v5 =	vld [tilespmem:s29+$0x40];
	[tilespmem:s25+$0x30] =	vst v2  }
0x8c: {  	v2 =	vld [tilespmem:s28+$0x0];
	v6 =	vmul.f32 v7, v8;
	[tilespmem:s25+$0xFFFFFF30] =	vst v1;
	s25 =	smov.u32 s29  }
0x8d: {  	v1 =	vld [tilespmem:s29+$0xFFFFFF40]  }
0x8e: {  	[tilespmem:s29+$0x80] =	vst v6;
	v6 =	vld [tilespmem:s29+$0xD0]  }
0x8f: {  	v3 =	vmul.f32 v3, v9;
	v7 =	vld [tilespmem:s28+$0x90]  }
0x90: {  	v8 =	vld [tilespmem:s29+$0xFFFFFF50]  }
0x91: {  	[tilespmem:s29+$0xFFFFFF80] =	vst v3;
	v3 =	vld [tilespmem:s29+$0xFFFFFFD0];
	v2 =	vmul.f32 v2, v5  }
0x92: {  	v1 =	vmul.f32 v4, v1;
	v4 =	vld [tilespmem:s28+$0xFFFFFF90]  }
0x93: {  	[tilespmem:s29+$0x0] =	vst v2;
	v2 =	vld [tilespmem:s29+$0x50]  }
0x94: {  	[tilespmem:s29+$0xFFFFFF00] =	vst v1;
	v1 =	vld [tilespmem:s28+$0x10];
	v5 =	vmul.f32 v7, v6  }
0x95: {  	v6 =	vld [tilespmem:s28+$0xFFFFFF10]  }
0x96: {  	[tilespmem:s29+$0x90] =	vst v5;
	v5 =	vld [tilespmem:s29+$0xE0]  }
0x97: {  	v3 =	vmul.f32 v4, v3;
	v4 =	vld [tilespmem:s28+$0xA0]  }
0x98: {  	v7 =	vld [tilespmem:s29+$0xFFFFFF60]  }
0x99: {  	[tilespmem:s29+$0xFFFFFF90] =	vst v3;
	v3 =	vld [tilespmem:s29+$0xFFFFFFE0];
	v1 =	vmul.f32 v1, v2  }
0x9a: {  	v2 =	vmul.f32 v6, v8;
	v6 =	vld [tilespmem:s28+$0xFFFFFFA0]  }
0x9b: {  	[tilespmem:s29+$0x10] =	vst v1;
	v8 =	vld [tilespmem:s29+$0x60]  }
0x9c: {  	[tilespmem:s29+$0xFFFFFF10] =	vst v2;
	v9 =	vld [tilespmem:s28+$0x20];
	v1 =	vmul.f32 v4, v5  }
0x9d: {  	v4 =	vld [tilespmem:s28+$0xFFFFFF20]  }
0x9e: {  	[tilespmem:s29+$0xA0] =	vst v1;
	v10 =	vld [tilespmem:s29+$0xF0]  }
0x9f: {  	v2 =	vmul.f32 v6, v3;
	v6 =	vld [tilespmem:s28+$0xB0]  }
0xa0: {  	v1 =	vld [tilespmem:s29+$0xFFFFFF70]  }
.Ltmp6:
0xa1: {  	[tilespmem:s29+$0xFFFFFFA0] =	vst v2;
	v2 =	vld [tilespmem:s29+$0xFFFFFFF0];
	v3 =	vmul.f32 v9, v8;
	(pc) =	sbr.rel @p3 .LBB2_9-.Ltmp6, $4  }
0xa2: {  	v5 =	vmul.f32 v4, v7;
	v4 =	vld [tilespmem:s28+$0xFFFFFFB0]  }
0xa3: {  	[tilespmem:s29+$0x20] =	vst v3;
	v3 =	vld [tilespmem:s29+$0x70]  }
0xa4: {  	[tilespmem:s29+$0xFFFFFF20] =	vst v5;
	v5 =	vld [tilespmem:s28+$0x30];
	v7 =	vmul.f32 v6, v10  }
0xa5: {  	s29 =	sadd.s32 $0x200, s29;
	v6 =	vld [tilespmem:s28+$0xFFFFFF30]  }
0xa6: {  	_ =	sdelay $0x1  }
.Ltmp7:
0xa7: {  	v2 =	vmul.f32 v4, v2;
	(pc) =	sbr.rel .LBB2_11-.Ltmp7, $4  }
0xa8: {  	[tilespmem:s25+$0xB0] =	vst v7;
	v3 =	vmul.f32 v5, v3  }
0xa9: {  	[tilespmem:s25+$0xFFFFFFB0] =	vst v2;
	v1 =	vmul.f32 v6, v1  }
0xaa: {  	[tilespmem:s25+$0x30] =	vst v3  }
0xab: {  	[tilespmem:s25+$0xFFFFFF30] =	vst v1  }
.LBB2_5:
0xac: {  	v1 =	vld [tilespmem:s25+$0x80]  }
0xad: {  	v2 =	vld [tilespmem:s26+$0x80]  }
0xae: {  	v3 =	vld [tilespmem:s25+$0xFFFFFF80]  }
0xaf: {  	v4 =	vld [tilespmem:s26+$0xFFFFFF80]  }
0xb0: {  	v5 =	vld [tilespmem:s25+$0x0]  }
0xb1: {  	v6 =	vld [tilespmem:s26+$0x0]  }
0xb2: {  	v7 =	vld [tilespmem:s26+$0xFFFFFF00];
	v2 =	vmul.f32 v2, v1  }
0xb3: {  	[tilespmem:s25+$0xC0] =	vst v1;
	v1 =	vld [tilespmem:s25+$0xFFFFFF00]  }
0xb4: {  	v4 =	vmul.f32 v4, v3;
	[tilespmem:s25+$0x80] =	vst v2;
	v2 =	vld [tilespmem:s25+$0x90]  }
0xb5: {  	[tilespmem:s25+$0xFFFFFFC0] =	vst v3;
	v3 =	vld [tilespmem:s26+$0x90]  }
0xb6: {  	v8 =	vld [tilespmem:s25+$0xFFFFFF10];
	[tilespmem:s25+$0xFFFFFF80] =	vst v4;
	v4 =	vmul.f32 v6, v5  }
0xb7: {  	[tilespmem:s25+$0x40] =	vst v5;
	v5 =	vld [tilespmem:s25+$0xFFFFFF90]  }
0xb8: {  	[tilespmem:s25+$0x0] =	vst v4;
	v6 =	vmul.f32 v7, v1;
	v7 =	vld [tilespmem:s26+$0xFFFFFF90]  }
0xb9: {  	[tilespmem:s25+$0xFFFFFF40] =	vst v1;
	v1 =	vld [tilespmem:s25+$0x10]  }
0xba: {  	v4 =	vld [tilespmem:s26+$0x10];
	[tilespmem:s25+$0xFFFFFF00] =	vst v6;
	v3 =	vmul.f32 v3, v2  }
0xbb: {  	[tilespmem:s25+$0xD0] =	vst v2;
	v2 =	vld [tilespmem:s26+$0xFFFFFF10]  }
0xbc: {  	[tilespmem:s25+$0x90] =	vst v3;
	v3 =	vld [tilespmem:s25+$0xA0]  }
0xbd: {  	[tilespmem:s25+$0xFFFFFFD0] =	vst v5;
	v6 =	vmul.f32 v7, v5;
	v7 =	vld [tilespmem:s26+$0xA0]  }
0xbe: {  	[tilespmem:s25+$0xFFFFFF50] =	vst v8;
	v5 =	vld [tilespmem:s25+$0xFFFFFF20]  }
0xbf: {  	v4 =	vmul.f32 v4, v1;
	[tilespmem:s25+$0xFFFFFF90] =	vst v6;
	v6 =	vld [tilespmem:s25+$0xFFFFFFA0]  }
0xc0: {  	[tilespmem:s25+$0x50] =	vst v1;
	v1 =	vmul.f32 v2, v8;
	v2 =	vld [tilespmem:s26+$0xFFFFFFA0]  }
0xc1: {  	[tilespmem:s25+$0x10] =	vst v4;
	v4 =	vld [tilespmem:s25+$0x20]  }
0xc2: {  	v8 =	vld [tilespmem:s26+$0x20];
	[tilespmem:s25+$0xFFFFFF10] =	vst v1;
	v1 =	vmul.f32 v7, v3  }
0xc3: {  	[tilespmem:s25+$0xE0] =	vst v3;
	v7 =	vld [tilespmem:s26+$0xFFFFFF20]  }
0xc4: {  	[tilespmem:s25+$0xA0] =	vst v1;
	v1 =	vld [tilespmem:s25+$0xB0]  }
0xc5: {  	[tilespmem:s25+$0xFFFFFF60] =	vst v5;
	v3 =	vmul.f32 v2, v6;
	v9 =	vld [tilespmem:s26+$0xB0]  }
0xc6: {  	[tilespmem:s25+$0xFFFFFFE0] =	vst v6;
	v2 =	vld [tilespmem:s25+$0xFFFFFF30]  }
0xc7: {  	v8 =	vmul.f32 v8, v4;
	[tilespmem:s25+$0xFFFFFFA0] =	vst v3;
	v3 =	vld [tilespmem:s25+$0xFFFFFFB0]  }
0xc8: {  	[tilespmem:s25+$0x60] =	vst v4;
	v5 =	vmul.f32 v7, v5;
	v6 =	vld [tilespmem:s26+$0xFFFFFFB0]  }
0xc9: {  	v4 =	vld [tilespmem:s25+$0x30];
	[tilespmem:s25+$0x20] =	vst v8  }
0xca: {  	v7 =	vld [tilespmem:s26+$0x30];
	[tilespmem:s25+$0xFFFFFF20] =	vst v5;
	v8 =	vmul.f32 v9, v1  }
0xcb: {  	s28 =	simm.s32 $0x0;
	s29 =	simm.s32 $0x18CC0;
	v5 =	vld [tilespmem:s26+$0xFFFFFF30];
	[tilespmem:s25+$0xFFFFFF70] =	vst v2  }
.LBB2_6:
0xcc: {  	v9 =	vld [tilespmem:s29+$0x80];
	[tilespmem:s25+$0xB0] =	vst v8;
	s26 =	sadd.s32 $0x200, s26  }
0xcd: {  	s28 =	sadd.s32 $0x4, s28;
	v6 =	vmul.f32 v6, v3;
	v8 =	vld [tilespmem:s26+$0x80];
	[tilespmem:s25+$0xFFFFFFF0] =	vst v3  }
0xce: {  	p3 =	slt.u32 s28, $0x9C;
	v3 =	vld [tilespmem:s26+$0xFFFFFF00];
	[tilespmem:s25+$0x70] =	vst v4  }
0xcf: {  	v4 =	vmul.f32 v7, v4;
	v10 =	vld [tilespmem:s29+$0xFFFFFF80];
	[tilespmem:s25+$0xFFFFFFB0] =	vst v6  }
0xd0: {  	v2 =	vmul.f32 v5, v2;
	v6 =	vld [tilespmem:s26+$0xFFFFFF80];
	[tilespmem:s25+$0xF0] =	vst v1  }
0xd1: {  	v1 =	vld [tilespmem:s29+$0x0];
	[tilespmem:s25+$0x30] =	vst v4  }
0xd2: {  	v4 =	vld [tilespmem:s26+$0x0];
	v5 =	vmul.f32 v8, v9;
	[tilespmem:s25+$0xFFFFFF30] =	vst v2;
	s25 =	smov.u32 s29  }
0xd3: {  	v2 =	vld [tilespmem:s29+$0xFFFFFF00];
	[tilespmem:s29+$0xC0] =	vst v9  }
0xd4: {  	[tilespmem:s29+$0x80] =	vst v5;
	v5 =	vld [tilespmem:s29+$0x90]  }
0xd5: {  	v6 =	vmul.f32 v6, v10;
	[tilespmem:s29+$0xFFFFFFC0] =	vst v10;
	v7 =	vld [tilespmem:s26+$0x90]  }
0xd6: {  	v8 =	vld [tilespmem:s29+$0xFFFFFF10];
	[tilespmem:s29+$0x40] =	vst v1  }
0xd7: {  	[tilespmem:s29+$0xFFFFFF80] =	vst v6;
	v6 =	vld [tilespmem:s29+$0xFFFFFF90];
	v1 =	vmul.f32 v4, v1  }
0xd8: {  	v3 =	vmul.f32 v3, v2;
	[tilespmem:s29+$0xFFFFFF40] =	vst v2;
	v2 =	vld [tilespmem:s26+$0xFFFFFF90]  }
0xd9: {  	[tilespmem:s29+$0x0] =	vst v1;
	v1 =	vld [tilespmem:s29+$0x10]  }
0xda: {  	[tilespmem:s29+$0xFFFFFF00] =	vst v3;
	v3 =	vld [tilespmem:s26+$0x10];
	v4 =	vmul.f32 v7, v5  }
0xdb: {  	v7 =	vld [tilespmem:s26+$0xFFFFFF10];
	[tilespmem:s29+$0xD0] =	vst v5  }
0xdc: {  	[tilespmem:s29+$0x90] =	vst v4;
	v4 =	vld [tilespmem:s29+$0xA0]  }
0xdd: {  	[tilespmem:s29+$0xFFFFFF50] =	vst v8;
	v2 =	vmul.f32 v2, v6;
	v5 =	vld [tilespmem:s26+$0xA0]  }
0xde: {  	v9 =	vld [tilespmem:s29+$0xFFFFFF20];
	[tilespmem:s29+$0xFFFFFFD0] =	vst v6  }
0xdf: {  	[tilespmem:s29+$0xFFFFFF90] =	vst v2;
	v6 =	vld [tilespmem:s29+$0xFFFFFFA0];
	v2 =	vmul.f32 v3, v1  }
0xe0: {  	v3 =	vmul.f32 v7, v8;
	v7 =	vld [tilespmem:s26+$0xFFFFFFA0];
	[tilespmem:s29+$0x50] =	vst v1  }
0xe1: {  	[tilespmem:s29+$0x10] =	vst v2;
	v8 =	vld [tilespmem:s29+$0x20]  }
0xe2: {  	[tilespmem:s29+$0xFFFFFF10] =	vst v3;
	v10 =	vld [tilespmem:s26+$0x20];
	v1 =	vmul.f32 v5, v4  }
0xe3: {  	v5 =	vld [tilespmem:s26+$0xFFFFFF20];
	[tilespmem:s29+$0xE0] =	vst v4  }
0xe4: {  	[tilespmem:s29+$0xA0] =	vst v1;
	v1 =	vld [tilespmem:s29+$0xB0]  }
0xe5: {  	[tilespmem:s29+$0xFFFFFF60] =	vst v9;
	v3 =	vmul.f32 v7, v6;
	v11 =	vld [tilespmem:s26+$0xB0]  }
0xe6: {  	v2 =	vld [tilespmem:s29+$0xFFFFFF30];
	[tilespmem:s29+$0xFFFFFFE0] =	vst v6  }
.Ltmp8:
0xe7: {  	[tilespmem:s29+$0xFFFFFFA0] =	vst v3;
	v3 =	vld [tilespmem:s29+$0xFFFFFFB0];
	v4 =	vmul.f32 v10, v8;
	(pc) =	sbr.rel @p3 .LBB2_6-.Ltmp8, $4  }
0xe8: {  	v5 =	vmul.f32 v5, v9;
	v6 =	vld [tilespmem:s26+$0xFFFFFFB0];
	[tilespmem:s29+$0x60] =	vst v8  }
0xe9: {  	[tilespmem:s29+$0x20] =	vst v4;
	v4 =	vld [tilespmem:s29+$0x30]  }
0xea: {  	[tilespmem:s29+$0xFFFFFF20] =	vst v5;
	v7 =	vld [tilespmem:s26+$0x30];
	v8 =	vmul.f32 v11, v1  }
0xeb: {  	s29 =	sadd.s32 $0x200, s29;
	v5 =	vld [tilespmem:s26+$0xFFFFFF30];
	[tilespmem:s25+$0xFFFFFF70] =	vst v2  }
.Ltmp9:
0xec: {  	_ = 	snop;
	(pc) =	sbr.rel .LBB2_7-.Ltmp9, $1  }
0xed: {  	_ =	sdelay $0x3  }
.LBB2_13:
0xee: {  	_ =	sfence.sel $0x180000  }
0xef: {  	[bflag:$0x0] =	sbarrier.arrive $0xFFFF  }
0xf0: {  	p0 =	sne.s32 s3, $0x0;
	_ =	strace $0x9000004A  }
0xf1: {  	s0 =	sadd.s32 @!p0 $0x100000, s0;
	[bflag:$0x2] =	sbarrier.arrive $0xFFFF  }
0xf2: {  	[sflag:s0] =	ssyncadd.tile.s32 @!p0 $0x1;
	_ =	shalt  }
.Lfunc_end2:
_tile_overlayer_lowered:
.L_overlay_start_2:
0xf3: {  	(tag) =	ssettag $0x2  }
0xf4: {  	s0 =	rddreg [dreg:$0x0];
	s2 =	stileid.u32  }
0xf5: {  	s1 =	rddreg [dreg:$0x1];
	p0 =	sne.s32 s2, $0x0  }
0xf6: {  	s3 =	rddreg [dreg:$0x2];
	[bflag:$0x3] =	sbarrier.arrive $0xFFFF;
	s2 =	simm.s32 @!p0 $0x1C02  }
0xf7: {  	[timem:s3], [sflag:s2] =	dma.local @!p0 [hbm:s0], s1  }
0xf8: {  	s0 =	simm.s32 @!p0 $0x2  }
0xf9: {  	_ =	swait.ge @!p0 [sflag:s0], s1  }
0xfa: {  	s1 =	ssub.s32 @!p0 $0x0, s1;
	[sflag:s0] =	ssyncset.done @!p0 $0x0  }
0xfb: {  	[sflag:s0] =	ssyncadd.s32 @!p0 s1  }
0xfc: {  	[bflag:$0x3] =	sbarrier.arrive $0xFFFF  }
0xfd: {  	_ =	shalt  }

// kernel: kernel.9.cloned.1.call-start
scs
__scs_entry_jumppad:
0x0: {  	(pc) =	sbr.rel $0x88, $3  }
0x1: {  	(tag) =	ssettag $0x0;
	lr =	simm.s32 $0x1  }
0x2: {  	[smem:$0x3F7B] =	sst lr;
	_ =	strace $0xD0000000  }
0x3: {  	_ = 	snop  }
0x4: {  	_ = 	snop  }
0x5: {  	_ = 	snop  }
0x6: {  	_ = 	snop  }
0x7: {  	_ = 	snop  }
__scs_overlays_trampoline_lowered:
0x8: {  	[smem:$0x3F8A] =	sst s0  }
0x9: {  	[smem:$0x3F8B] =	sst s1  }
0xa: {  	[smem:$0x3F8C] =	sst s2  }
0xb: {  	[smem:$0x3F8D] =	sst s3  }
0xc: {  	[smem:$0x3F8E] =	sst s4  }
0xd: {  	[smem:$0x3F8F] =	sst s5  }
0xe: {  	[smem:$0x3F90] =	sst s6  }
0xf: {  	[smem:$0x3F91] =	sst s7  }
0x10: {  	[smem:$0x3F92] =	sst s8  }
0x11: {  	[smem:$0x3F93] =	sst s9;
	s0 =	simm.s32 @!p0 $0x0  }
0x12: {  	s1 =	sld [smem:$0x3F79];
	s0 =	simm.s32 @p0 $0x1  }
0x13: {  	[smem:$0x3F94] =	sst s0;
	s0 =	simm.s32 @!p1 $0x0  }
0x14: {  	s2 =	sld [smem:$0x3F78];
	s0 =	simm.s32 @p1 $0x1  }
0x15: {  	[smem:$0x3F95] =	sst s0;
	s0 =	simm.s32 @!p2 $0x0  }
0x16: {  	s3 =	sld [smem:$0x3FDB];
	s0 =	simm.s32 @p2 $0x1  }
0x17: {  	s4 =	simm.s32 $0x1BF5;
	[smem:$0x3F97] =	sst s0  }
0x18: {  	s0 =	sld [smem:$0x3F7A];
	_ =	swait.ge [sflag:s4], $0x0  }
0x19: {  	s7 =	sld [smem:$0x3F7B]  }
0x1a: {  	s8 =	sadd.s32 $0xFFFFE003, lr  }
0x1b: {  	s9 =	sadd.s32 $0xFFFFFEF7, lr;
	s5 =	simm.s32 $0xFFFFFFFF;
	p2 =	slt.u32 s8, $0xFFFFF086  }
0x1c: {  	p1 =	slt.u32 s9, $0xF7A;
	s5 =	simm.s32 @!p2 $0x0  }
0x1d: {  	s5 =	simm.s32 @p1 $0x1;
	p0 =	seq.s32 s7, s2  }
0x1e: {  	s7 =	smul.u32 @!p0 $0xF7A, s2;
	p2 =	seq.s32 @!p0 s5, $0x0  }
0x1f: {  	s9 =	smul.u32 $0xF7A, s1;
	s8 =	simm.s32 @!p0 $0x1BF5;
	p2 =	por !p2, p0  }
0x20: {  	[sflag:s8] =	ssyncset.s32 @!p0 $0xFFFFF086;
	s6 =	sadd.s32 @!p0 s3, s7;
	s7 =	simm.s32 @!p0 $0x108  }
0x21: {  	s3 =	sadd.s32 s3, s9;
	s6 =	sadd.s32 @!p0 $0x88, s6;
	s7 =	simm.s32 @p2 $0x1082  }
0x22: {  	[simem:s7], [sflag:s8] =	dma.local @!p0 [hbm:s6], $0xF7A  }
0x23: {  	s9 =	sor.u32 $0xD0000000, s2;
	s6 =	simm.s32 $0x108;
	_ =	swait.ge @!p0 [sflag:s8], $0x0  }
0x24: {  	s3 =	sadd.s32 $0x88, s3;
	s6 =	simm.s32 @!p1 $0x1082;
	[sflag:s4] =	ssyncset.s32 $0xFFFFF086  }
0x25: {  	[simem:s6], [sflag:s4] =	dma.local [hbm:s3], $0xF7A  }
0x26: {  	[smem:$0x3F7B] =	sst s1;
	(tag) =	ssettag s2;
	_ =	strace s9  }
0x27: {  	s1 =	sld [smem:$0x3F8B]  }
0x28: {  	s2 =	sld [smem:$0x3F8C]  }
0x29: {  	s4 =	sld [smem:$0x3F8E]  }
0x2a: {  	p0 =	seq.s32 s5, $0x0;
	s5 =	sld [smem:$0x3F8F]  }
0x2b: {  	s6 =	sld [smem:$0x3F90]  }
0x2c: {  	s7 =	sld [smem:$0x3F91]  }
0x2d: {  	s3 =	simm.s32 $0x108;
	s8 =	sld [smem:$0x3F92]  }
0x2e: {  	s3 =	simm.s32 @!p0 $0x1082;
	s9 =	sld [smem:$0x3F93]  }
0x2f: {  	lr =	sadd.s32 s0, s3;
	s0 =	sld [smem:$0x3F8A]  }
0x30: {  	s3 =	sld [smem:$0x3F8D]  }
0x31: {  	[smem:$0x3F96] =	sst s10  }
0x32: {  	s10 =	sld [smem:$0x3F94];
	_ =	sdelay $0x3  }
0x33: {  	p0 =	seq.s32 s10, $0x1;
	s10 =	sld [smem:$0x3F96];
	_ =	sdelay $0x3  }
0x34: {  	[smem:$0x3F96] =	sst s10  }
0x35: {  	s10 =	sld [smem:$0x3F95];
	_ =	sdelay $0x3  }
0x36: {  	p1 =	seq.s32 s10, $0x1;
	s10 =	sld [smem:$0x3F96];
	_ =	sdelay $0x3  }
0x37: {  	[smem:$0x3F96] =	sst s10  }
0x38: {  	s10 =	sld [smem:$0x3F97]  }
0x39: {  	_ = 	snop;
	(pc) =	sbr.ind lr, $3  }
0x3a: {  	_ = 	snop  }
0x3b: {  	_ = 	snop  }
0x3c: {  	p2 =	seq.s32 s10, $0x1;
	s10 =	sld [smem:$0x3F96]  }
0x3d: {  	_ =	shalt  }
0x3e: {  	_ =	shalt  }
0x3f: {  	_ =	shalt  }
0x40: {  	_ =	shalt  }
0x41: {  	_ =	shalt  }
0x42: {  	_ =	shalt  }
0x43: {  	_ =	shalt  }
0x44: {  	_ =	shalt  }
0x45: {  	_ =	shalt  }
0x46: {  	_ =	shalt  }
0x47: {  	_ =	shalt  }
0x48: {  	_ =	shalt  }
0x49: {  	_ =	shalt  }
0x4a: {  	_ =	shalt  }
0x4b: {  	_ =	shalt  }
0x4c: {  	_ =	shalt  }
0x4d: {  	_ =	shalt  }
0x4e: {  	_ =	shalt  }
0x4f: {  	_ =	shalt  }
0x50: {  	_ =	shalt  }
0x51: {  	_ =	shalt  }
0x52: {  	_ =	shalt  }
0x53: {  	_ =	shalt  }
0x54: {  	_ =	shalt  }
0x55: {  	_ =	shalt  }
0x56: {  	_ =	shalt  }
0x57: {  	_ =	shalt  }
0x58: {  	_ =	shalt  }
0x59: {  	_ =	shalt  }
0x5a: {  	_ =	shalt  }
0x5b: {  	_ =	shalt  }
0x5c: {  	_ =	shalt  }
0x5d: {  	_ =	shalt  }
0x5e: {  	_ =	shalt  }
0x5f: {  	_ =	shalt  }
0x60: {  	_ =	shalt  }
0x61: {  	_ =	shalt  }
0x62: {  	_ =	shalt  }
0x63: {  	_ =	shalt  }
0x64: {  	_ =	shalt  }
0x65: {  	_ =	shalt  }
0x66: {  	_ =	shalt  }
0x67: {  	_ =	shalt  }
0x68: {  	_ =	shalt  }
0x69: {  	_ =	shalt  }
0x6a: {  	_ =	shalt  }
0x6b: {  	_ =	shalt  }
0x6c: {  	_ =	shalt  }
0x6d: {  	_ =	shalt  }
0x6e: {  	_ =	shalt  }
0x6f: {  	_ =	shalt  }
0x70: {  	_ =	shalt  }
0x71: {  	_ =	shalt  }
0x72: {  	_ =	shalt  }
0x73: {  	_ =	shalt  }
0x74: {  	_ =	shalt  }
0x75: {  	_ =	shalt  }
0x76: {  	_ =	shalt  }
0x77: {  	_ =	shalt  }
0x78: {  	_ =	shalt  }
0x79: {  	_ =	shalt  }
0x7a: {  	_ =	shalt  }
0x7b: {  	_ =	shalt  }
0x7c: {  	_ =	shalt  }
0x7d: {  	_ =	shalt  }
0x7e: {  	_ =	shalt  }
0x7f: {  	_ =	shalt  }
0x80: {  	_ =	shalt  }
0x81: {  	_ =	shalt  }
0x82: {  	_ =	shalt  }
0x83: {  	_ =	shalt  }
0x84: {  	_ =	shalt  }
0x85: {  	_ =	shalt  }
0x86: {  	_ =	shalt  }
0x87: {  	_ =	shalt  }
.Lfunc_end0:
.L_simem_size_0:
called_computation_lowered:
.L_overlay_start_0:
0x88: {  	s2 =	sld [smem:$0x3FD9]  }
0x89: {  	s3 =	sld [smem:$0x3FFE];
	_ =	sdelay $0x1  }
0x8a: {  	s1 =	srdreg.scid  }
0x8b: {  	s0 =	sand.u32 $0x1, s1  }
0x8c: {  	s16 =	sshll.u32 s0, $0xA;
	s2 =	sadd.s32 s3, s2  }
0x8d: {  	s2 =	sadd.s32 s2, s16  }
0x8e: {  	[smem:$0x3FA2] =	sst s2  }
0x8f: {  	_ = 	snop  }
0x90: {  	(tm) =	ssettm $0x1  }
0x91: {  	s17 =	sld [smem:$0x3FFB];
	_ =	sdelay $0x3  }
0x92: {  	_ =	strace s17  }
0x93: {  	s2 =	sld [smem:$0x3FFC];
	_ =	sdelay $0x3  }
0x94: {  	_ =	strace s2  }
0x95: {  	s2 =	sld [smem:$0x3FFD];
	_ =	sdelay $0x3  }
0x96: {  	_ =	strace s2  }
0x97: {  	_ =	strace $0x8FFFFFFF  }
0x98: {  	s18 =	sld [smem:$0x3FDB];
	_ =	sdelay $0x1  }
0x99: {  	s19 =	simm.s32 $_scs_section_size  }
0x9a: {  	s4 =	simm.s32 $_size__tile_overlayer_lowered;
	s5 =	simm.s32 $_tile_overlayer_lowered  }
0x9b: {  	s22 =	simm.s32 $0x1BFF;
	s21 =	sshll.u32 s5, $0x1;
	s2 =	sadd.s32 s19, s18  }
0x9c: {  	s6 =	simm.s32 $0x0;
	s20 =	sshll.u32 s4, $0x1;
	s4 =	sadd.s32 s21, s2  }
0x9d: {  	[timem:s6], [sflag:s22] =	dma.local [hbm:s4], s20  }
0x9e: {  	_ =	swait.ge [sflag:s22], s20  }
0x9f: {  	s3 =	ssub.s32 $0x0, s20;
	[sflag:s22] =	ssyncset.done $0x0  }
0xa0: {  	[sflag:s22] =	ssyncadd.s32 s3;
	_ =	sdelay $0x1  }
0xa1: {  	s23 =	simm.s32 $0x1B8B  }
0xa2: {  	_ =	swait.ge [sflag:s23], $0x1  }
0xa3: {  	[sflag:s23] =	ssyncset.done $0x0  }
0xa4: {  	s25 =	simm.s32 $0x1B8E;
	s24 =	sld [smem:$0x3FFE];
	[sflag:s23] =	ssyncadd.s32 $0xFFFFFFFF  }
0xa5: {  	s26 =	simm.s32 $execute0_lowered;
	[smem:$0x3FD2] =	sst s25  }
0xa6: {  	s4 =	sshll.u32 s26, $0x1;
	_ =	strace $0x80000046;
	[dreg:$0x1] =	wrdreg $0xFFFFFFFF  }
0xa7: {  	s28 =	simm.s32 $_size_execute0_lowered;
	s2 =	sadd.s32 s2, s4;
	[dreg:$0x0] =	wrdreg $0x0  }
0xa8: {  	s4 =	sshll.u32 s28, $0x1;
	[dreg:$0x2] =	wrdreg s2  }
0xa9: {  	[dreg:$0x3] =	wrdreg s4  }
0xaa: {  	[dreg:$0x4] =	wrdreg $0xC0  }
0xab: {  	_ =	task [dreg:s6], $0x5FFFF  }
0xac: {  	[dreg:$0x1] =	wrdreg $0xFFFFFFFF  }
0xad: {  	[dreg:$0x0] =	wrdreg $0x60  }
0xae: {  	[dreg:$0x2] =	wrdreg s24  }
0xaf: {  	[dreg:$0x3] =	wrdreg $0x9  }
0xb0: {  	_ =	task.clear_ibuf [dreg:s6], $0x4FFFF;
	_ =	strace $0x90000046  }
0xb1: {  	s29 =	simm.s32 $0x9;
	_ =	strace $0x80000048  }
0xb2: {  	_ =	swait.ge [sflag:s29], $0x1  }
0xb3: {  	[sflag:s29] =	ssyncadd.s32 $0xFFFFFFFF  }
0xb4: {  	_ =	strace $0x90000048  }
0xb5: {  	_ =	sfence  }
0xb6: {  	s30 =	sld [smem:$0x0];
	_ =	sdelay $0x2  }
0xb7: {  	s31 =	sshll.u32 s1, $0xD;
	s1 =	sshrl.u32 s1, $0x2  }
0xb8: {  	s3 =	sand.u32 $0x4000, s31;
	s1 =	sadd.s32 s1, s30  }
0xb9: {  	s0 =	sor.u32 s3, s0;
	s1 =	sshll.u32 s1, $0x11  }
0xba: {  	s0 =	sor.u32 s1, s0  }
0xbb: {  	s0 =	sadd.s32 $0x8F2B, s0  }
0xbc: {  	[sflag:s0] =	ssyncadd.remote.s32 $0x1  }
0xbd: {  	_ =	sfence.sel $0xFFFF  }
0xbe: {  	[dreg:$0x0] =	wrdreg $0xFFFFFFFF;
	(pc) =	sbr.abs _section_cstart, $3  }
0xbf: {  	[dreg:$0x1] =	wrdreg $0xFFFFFFFF  }
0xc0: {  	_ =	task.clear_ibuf [dreg:s6], $0x2FFFF;
	_ =	strace $0x9FFFFFFF  }
0xc1: {  	(tm) =	ssettm $0x7FFFFFFF  }
tec
execute0_lowered:
.L_overlay_start_1:
0x0: {  	(tag) =	ssettag $0x1  }
0x1: {  	s6 =	rddreg [dreg:$0x0]  }
0x2: {  	s0 =	rddreg [dreg:$0x1]  }
0x3: {  	s1 =	simm.s32 $0x0;
	s2 =	srdreg.scid;
	s11 =	simm.s32 $0x2  }
0x4: {  	s12 =	simm.s32 $0x320;
	s13 =	simm.s32 $0xCB20;
	s14 =	simm.s32 $0x1  }
0x5: {  	s15 =	simm.s32 $0x0;
	[smem:$0x7FF] =	sst s1;
	s3 =	sadd.s32 $0x19800, s6  }
0x6: {  	s7 =	sand.u32 $0x1, s2;
	s4 =	sadd.s32 $0x40A00, s6;
	s2 =	stileid.u32  }
0x7: {  	s5 =	sadd.s32 $0x5E00, s6;
	s6 =	sadd.s32 $0x67C00, s6;
	s8 =	ssub.s32 $0x2, s7  }
0x8: {  	_ =	strace $0x80000047;
	s10 =	sshll.u32 s2, $0x1;
	s9 =	sshrl.u32 s8, $0x1  }
0x9: {  	s7 =	sor.u32 s7, s10;
	s10 =	simm.s32 $0x4E200;
	s8 =	ssub.s32 s8, s9  }
0xa: {  	s7 =	smul.u32 $0x2710, s7;
	s9 =	simm.s32 $0x190;
	s8 =	smax.u32 s8, $0x1  }
.LBB2_1:
0xb: {  	s16 =	simm.s32 $0x0  }
.LBB2_2:
0xc: {  	s17 =	smul.u32 $0x190, s16;
	_ =	sdelay $0x1  }
0xd: {  	s17 =	sadd.s32 s7, s17  }
0xe: {  	s18 =	sshrl.u32 s17, $0x3  }
0xf: {  	s18 =	sadd.s32 s5, s18  }
0x10: {  	[tilespmem:s1], [sflag:$0x2] =	stream.strided.gather [hbm4b:s18+s9], $0x320, s10, s9, $0x38;
	[tilespmem:$0x19320] =	vst v63  }
0x11: {  	_ =	swait.ge [sflag:s11], $0x320  }
0x12: {  	[sflag:s11] =	ssyncset.done $0x0  }
0x13: {  	[sflag:s11] =	ssyncadd.s32 $0xFFFFFCE0  }
0x14: {  	[tilespmem:s12], [sflag:$0x1] =	stream.indirect.gather [hbm4b:s3+s9], $0x80, s1, s9, $0xb8;
	[tilespmem:$0x19320] =	vst v63  }
0x15: {  	_ = 	snop  }
0x16: {  	[tilespmem:s13], [sflag:$0x1] =	stream.indirect.gather [hbm4b:s4+s9], $0x80, s9, s9, $0xb8;
	[tilespmem:$0x19320] =	vst v63  }
0x17: {  	_ =	swait.ge [sflag:s14], $0xC800  }
0x18: {  	[sflag:s14] =	ssyncset.done $0x0  }
0x19: {  	[sflag:s14] =	ssyncadd.s32 $0xFFFF3800  }
0x1a: {  	_ =	swait.ge [sflag:s14], $0xC800  }
0x1b: {  	[sflag:s14] =	ssyncset.done $0x0  }
0x1c: {  	s20 =	simm.s32 $0x420;
	[sflag:s14] =	ssyncadd.s32 $0xFFFF3800  }
0x1d: {  	s18 =	simm.s32 $0xCC20;
	v0 =	vld [tilespmem:s20+$0x80]  }
0x1e: {  	v1 =	vld [tilespmem:s18+$0x80]  }
0x1f: {  	v2 =	vld [tilespmem:s20+$0xFFFFFF80]  }
0x20: {  	v3 =	vld [tilespmem:s18+$0xFFFFFF80]  }
0x21: {  	v4 =	vld [tilespmem:s20+$0x0]  }
0x22: {  	v5 =	vld [tilespmem:s18+$0x0]  }
0x23: {  	v6 =	vld [tilespmem:s20+$0xFFFFFF00];
	v0 =	vmul.f32 v1, v0  }
0x24: {  	v1 =	vld [tilespmem:s18+$0xFFFFFF00]  }
0x25: {  	[tilespmem:s18+$0x80] =	vst v0;
	v0 =	vld [tilespmem:s18+$0x90]  }
0x26: {  	v2 =	vmul.f32 v3, v2;
	v3 =	vld [tilespmem:s20+$0x90]  }
0x27: {  	v7 =	vld [tilespmem:s18+$0xFFFFFF10]  }
0x28: {  	[tilespmem:s18+$0xFFFFFF80] =	vst v2;
	v2 =	vmul.f32 v5, v4;
	v4 =	vld [tilespmem:s18+$0xFFFFFF90]  }
0x29: {  	v5 =	vld [tilespmem:s20+$0xFFFFFF90];
	v1 =	vmul.f32 v1, v6  }
0x2a: {  	[tilespmem:s18+$0x0] =	vst v2;
	v2 =	vld [tilespmem:s18+$0x10]  }
0x2b: {  	v6 =	vld [tilespmem:s20+$0x10];
	[tilespmem:s18+$0xFFFFFF00] =	vst v1;
	v0 =	vmul.f32 v0, v3  }
0x2c: {  	v1 =	vld [tilespmem:s20+$0xFFFFFF10]  }
0x2d: {  	[tilespmem:s18+$0x90] =	vst v0;
	v0 =	vld [tilespmem:s18+$0xA0]  }
0x2e: {  	v3 =	vmul.f32 v4, v5;
	v4 =	vld [tilespmem:s20+$0xA0]  }
0x2f: {  	v5 =	vld [tilespmem:s18+$0xFFFFFF20]  }
0x30: {  	[tilespmem:s18+$0xFFFFFF90] =	vst v3;
	v2 =	vmul.f32 v2, v6;
	v3 =	vld [tilespmem:s18+$0xFFFFFFA0]  }
0x31: {  	v6 =	vld [tilespmem:s20+$0xFFFFFFA0];
	v1 =	vmul.f32 v7, v1  }
0x32: {  	[tilespmem:s18+$0x10] =	vst v2;
	v2 =	vld [tilespmem:s18+$0x20]  }
0x33: {  	v7 =	vld [tilespmem:s20+$0x20];
	[tilespmem:s18+$0xFFFFFF10] =	vst v1;
	v0 =	vmul.f32 v0, v4  }
0x34: {  	v1 =	vld [tilespmem:s20+$0xFFFFFF20]  }
0x35: {  	[tilespmem:s18+$0xA0] =	vst v0;
	v0 =	vld [tilespmem:s18+$0xB0]  }
0x36: {  	v3 =	vmul.f32 v3, v6;
	v4 =	vld [tilespmem:s20+$0xB0]  }
0x37: {  	v6 =	vld [tilespmem:s18+$0xFFFFFF30]  }
0x38: {  	[tilespmem:s18+$0xFFFFFFA0] =	vst v3;
	v2 =	vmul.f32 v2, v7;
	v3 =	vld [tilespmem:s18+$0xFFFFFFB0]  }
0x39: {  	v7 =	vld [tilespmem:s20+$0xFFFFFFB0];
	v1 =	vmul.f32 v5, v1  }
0x3a: {  	[tilespmem:s18+$0x20] =	vst v2;
	v2 =	vld [tilespmem:s18+$0x30]  }
0x3b: {  	v5 =	vld [tilespmem:s20+$0x30];
	[tilespmem:s18+$0xFFFFFF20] =	vst v1;
	v0 =	vmul.f32 v0, v4  }
0x3c: {  	v1 =	vld [tilespmem:s20+$0xFFFFFF30]  }
0x3d: {  	[tilespmem:s18+$0xB0] =	vst v0;
	v0 =	vld [tilespmem:s18+$0xC0]  }
0x3e: {  	v3 =	vmul.f32 v3, v7;
	v4 =	vld [tilespmem:s20+$0xC0]  }
0x3f: {  	v7 =	vld [tilespmem:s18+$0xFFFFFF40]  }
0x40: {  	[tilespmem:s18+$0xFFFFFFB0] =	vst v3;
	v2 =	vmul.f32 v2, v5;
	v3 =	vld [tilespmem:s18+$0xFFFFFFC0]  }
0x41: {  	v5 =	vld [tilespmem:s20+$0xFFFFFFC0];
	v1 =	vmul.f32 v6, v1  }
0x42: {  	[tilespmem:s18+$0x30] =	vst v2;
	v2 =	vld [tilespmem:s18+$0x40]  }
0x43: {  	v6 =	vld [tilespmem:s20+$0x40];
	[tilespmem:s18+$0xFFFFFF30] =	vst v1;
	v0 =	vmul.f32 v0, v4  }
0x44: {  	v1 =	vld [tilespmem:s20+$0xFFFFFF40]  }
0x45: {  	[tilespmem:s18+$0xC0] =	vst v0;
	v0 =	vld [tilespmem:s18+$0xD0]  }
0x46: {  	v3 =	vmul.f32 v3, v5;
	v4 =	vld [tilespmem:s20+$0xD0]  }
0x47: {  	v5 =	vld [tilespmem:s18+$0xFFFFFF50]  }
0x48: {  	[tilespmem:s18+$0xFFFFFFC0] =	vst v3;
	v2 =	vmul.f32 v2, v6;
	v3 =	vld [tilespmem:s18+$0xFFFFFFD0]  }
0x49: {  	v6 =	vld [tilespmem:s20+$0xFFFFFFD0];
	v1 =	vmul.f32 v7, v1  }
0x4a: {  	[tilespmem:s18+$0x40] =	vst v2;
	v2 =	vld [tilespmem:s18+$0x50]  }
0x4b: {  	v7 =	vld [tilespmem:s20+$0x50];
	[tilespmem:s18+$0xFFFFFF40] =	vst v1;
	v0 =	vmul.f32 v0, v4  }
0x4c: {  	v1 =	vld [tilespmem:s20+$0xFFFFFF50]  }
0x4d: {  	[tilespmem:s18+$0xD0] =	vst v0;
	v0 =	vld [tilespmem:s18+$0xE0]  }
0x4e: {  	v3 =	vmul.f32 v3, v6;
	v4 =	vld [tilespmem:s20+$0xE0]  }
0x4f: {  	v6 =	vld [tilespmem:s18+$0xFFFFFF60]  }
0x50: {  	[tilespmem:s18+$0xFFFFFFD0] =	vst v3;
	v2 =	vmul.f32 v2, v7;
	v3 =	vld [tilespmem:s18+$0xFFFFFFE0]  }
0x51: {  	v7 =	vld [tilespmem:s20+$0xFFFFFFE0];
	v1 =	vmul.f32 v5, v1  }
0x52: {  	[tilespmem:s18+$0x50] =	vst v2;
	v2 =	vld [tilespmem:s18+$0x60]  }
0x53: {  	v5 =	vld [tilespmem:s20+$0x60];
	[tilespmem:s18+$0xFFFFFF50] =	vst v1;
	v0 =	vmul.f32 v0, v4  }
0x54: {  	v4 =	vld [tilespmem:s20+$0xFFFFFF60]  }
0x55: {  	v8 =	vld [tilespmem:s18+$0xF0];
	[tilespmem:s18+$0xE0] =	vst v0  }
0x56: {  	v1 =	vmul.f32 v3, v7;
	v7 =	vld [tilespmem:s20+$0xF0]  }
0x57: {  	v0 =	vld [tilespmem:s18+$0xFFFFFF70]  }
0x58: {  	[tilespmem:s18+$0xFFFFFFE0] =	vst v1;
	v2 =	vmul.f32 v2, v5;
	v1 =	vld [tilespmem:s18+$0xFFFFFFF0]  }
0x59: {  	v3 =	vld [tilespmem:s20+$0xFFFFFFF0];
	v4 =	vmul.f32 v6, v4  }
0x5a: {  	[tilespmem:s18+$0x60] =	vst v2;
	v2 =	vld [tilespmem:s18+$0x70]  }
0x5b: {  	[tilespmem:s18+$0xFFFFFF60] =	vst v4;
	v4 =	vld [tilespmem:s20+$0x70];
	v6 =	vmul.f32 v8, v7  }
0x5c: {  	s19 =	simm.s32 $0x0;
	s21 =	simm.s32 $0xCC20;
	v5 =	vld [tilespmem:s20+$0xFFFFFF70];
	s20 =	simm.s32 $0x620  }
.LBB2_3:
0x5d: {  	v7 =	vld [tilespmem:s20+$0x80];
	[tilespmem:s18+$0xF0] =	vst v6;
	s21 =	sadd.s32 $0x200, s21  }
0x5e: {  	s19 =	sadd.s32 $0x4, s19;
	v6 =	vld [tilespmem:s21+$0x80];
	v1 =	vmul.f32 v1, v3  }
0x5f: {  	p0 =	slt.u32 s19, $0x18C;
	v3 =	vld [tilespmem:s21+$0xFFFFFF00]  }
0x60: {  	v8 =	vld [tilespmem:s20+$0xFFFFFF80];
	[tilespmem:s18+$0xFFFFFFF0] =	vst v1;
	v1 =	vmul.f32 v2, v4  }
0x61: {  	v2 =	vld [tilespmem:s21+$0xFFFFFF80];
	v0 =	vmul.f32 v0, v5  }
0x62: {  	v4 =	vld [tilespmem:s20+$0x0];
	[tilespmem:s18+$0x70] =	vst v1  }
0x63: {  	v1 =	vld [tilespmem:s21+$0x0];
	v5 =	vmul.f32 v6, v7;
	[tilespmem:s18+$0xFFFFFF70] =	vst v0;
	s18 =	smov.u32 s21  }
0x64: {  	v0 =	vld [tilespmem:s20+$0xFFFFFF00]  }
0x65: {  	[tilespmem:s21+$0x80] =	vst v5;
	v5 =	vld [tilespmem:s21+$0x90]  }
0x66: {  	v2 =	vmul.f32 v2, v8;
	v6 =	vld [tilespmem:s20+$0x90]  }
0x67: {  	v7 =	vld [tilespmem:s21+$0xFFFFFF10]  }
0x68: {  	[tilespmem:s21+$0xFFFFFF80] =	vst v2;
	v2 =	vld [tilespmem:s21+$0xFFFFFF90];
	v1 =	vmul.f32 v1, v4  }
0x69: {  	v0 =	vmul.f32 v3, v0;
	v3 =	vld [tilespmem:s20+$0xFFFFFF90]  }
0x6a: {  	[tilespmem:s21+$0x0] =	vst v1;
	v1 =	vld [tilespmem:s21+$0x10]  }
0x6b: {  	[tilespmem:s21+$0xFFFFFF00] =	vst v0;
	v0 =	vld [tilespmem:s20+$0x10];
	v4 =	vmul.f32 v5, v6  }
0x6c: {  	v5 =	vld [tilespmem:s20+$0xFFFFFF10]  }
0x6d: {  	[tilespmem:s21+$0x90] =	vst v4;
	v4 =	vld [tilespmem:s21+$0xA0]  }
0x6e: {  	v2 =	vmul.f32 v2, v3;
	v3 =	vld [tilespmem:s20+$0xA0]  }
0x6f: {  	v6 =	vld [tilespmem:s21+$0xFFFFFF20]  }
0x70: {  	[tilespmem:s21+$0xFFFFFF90] =	vst v2;
	v2 =	vld [tilespmem:s21+$0xFFFFFFA0];
	v0 =	vmul.f32 v1, v0  }
0x71: {  	v1 =	vmul.f32 v7, v5;
	v5 =	vld [tilespmem:s20+$0xFFFFFFA0]  }
0x72: {  	[tilespmem:s21+$0x10] =	vst v0;
	v0 =	vld [tilespmem:s21+$0x20]  }
0x73: {  	[tilespmem:s21+$0xFFFFFF10] =	vst v1;
	v1 =	vld [tilespmem:s20+$0x20];
	v3 =	vmul.f32 v4, v3  }
0x74: {  	v4 =	vld [tilespmem:s20+$0xFFFFFF20]  }
0x75: {  	[tilespmem:s21+$0xA0] =	vst v3;
	v3 =	vld [tilespmem:s21+$0xB0]  }
0x76: {  	v2 =	vmul.f32 v2, v5;
	v5 =	vld [tilespmem:s20+$0xB0]  }
0x77: {  	v7 =	vld [tilespmem:s21+$0xFFFFFF30]  }
0x78: {  	[tilespmem:s21+$0xFFFFFFA0] =	vst v2;
	v2 =	vld [tilespmem:s21+$0xFFFFFFB0];
	v0 =	vmul.f32 v0, v1  }
0x79: {  	v1 =	vmul.f32 v6, v4;
	v4 =	vld [tilespmem:s20+$0xFFFFFFB0]  }
0x7a: {  	[tilespmem:s21+$0x20] =	vst v0;
	v0 =	vld [tilespmem:s21+$0x30]  }
0x7b: {  	[tilespmem:s21+$0xFFFFFF20] =	vst v1;
	v1 =	vld [tilespmem:s20+$0x30];
	v3 =	vmul.f32 v3, v5  }
0x7c: {  	v5 =	vld [tilespmem:s20+$0xFFFFFF30]  }
0x7d: {  	[tilespmem:s21+$0xB0] =	vst v3;
	v3 =	vld [tilespmem:s21+$0xC0]  }
0x7e: {  	v2 =	vmul.f32 v2, v4;
	v4 =	vld [tilespmem:s20+$0xC0]  }
0x7f: {  	v6 =	vld [tilespmem:s21+$0xFFFFFF40]  }
0x80: {  	[tilespmem:s21+$0xFFFFFFB0] =	vst v2;
	v2 =	vld [tilespmem:s21+$0xFFFFFFC0];
	v0 =	vmul.f32 v0, v1  }
0x81: {  	v1 =	vmul.f32 v7, v5;
	v5 =	vld [tilespmem:s20+$0xFFFFFFC0]  }
0x82: {  	[tilespmem:s21+$0x30] =	vst v0;
	v0 =	vld [tilespmem:s21+$0x40]  }
0x83: {  	[tilespmem:s21+$0xFFFFFF30] =	vst v1;
	v1 =	vld [tilespmem:s20+$0x40];
	v3 =	vmul.f32 v3, v4  }
0x84: {  	v4 =	vld [tilespmem:s20+$0xFFFFFF40]  }
0x85: {  	[tilespmem:s21+$0xC0] =	vst v3;
	v3 =	vld [tilespmem:s21+$0xD0]  }
0x86: {  	v2 =	vmul.f32 v2, v5;
	v5 =	vld [tilespmem:s20+$0xD0]  }
0x87: {  	v7 =	vld [tilespmem:s21+$0xFFFFFF50]  }
0x88: {  	[tilespmem:s21+$0xFFFFFFC0] =	vst v2;
	v2 =	vld [tilespmem:s21+$0xFFFFFFD0];
	v0 =	vmul.f32 v0, v1  }
0x89: {  	v1 =	vmul.f32 v6, v4;
	v4 =	vld [tilespmem:s20+$0xFFFFFFD0]  }
0x8a: {  	[tilespmem:s21+$0x40] =	vst v0;
	v0 =	vld [tilespmem:s21+$0x50]  }
0x8b: {  	[tilespmem:s21+$0xFFFFFF40] =	vst v1;
	v1 =	vld [tilespmem:s20+$0x50];
	v3 =	vmul.f32 v3, v5  }
0x8c: {  	v5 =	vld [tilespmem:s20+$0xFFFFFF50]  }
0x8d: {  	[tilespmem:s21+$0xD0] =	vst v3;
	v3 =	vld [tilespmem:s21+$0xE0]  }
0x8e: {  	v2 =	vmul.f32 v2, v4;
	v4 =	vld [tilespmem:s20+$0xE0]  }
0x8f: {  	v6 =	vld [tilespmem:s21+$0xFFFFFF60]  }
0x90: {  	[tilespmem:s21+$0xFFFFFFD0] =	vst v2;
	v2 =	vld [tilespmem:s21+$0xFFFFFFE0];
	v0 =	vmul.f32 v0, v1  }
0x91: {  	v1 =	vmul.f32 v7, v5;
	v5 =	vld [tilespmem:s20+$0xFFFFFFE0]  }
0x92: {  	[tilespmem:s21+$0x50] =	vst v0;
	v7 =	vld [tilespmem:s21+$0x60]  }
0x93: {  	[tilespmem:s21+$0xFFFFFF50] =	vst v1;
	v8 =	vld [tilespmem:s20+$0x60];
	v0 =	vmul.f32 v3, v4  }
0x94: {  	v3 =	vld [tilespmem:s20+$0xFFFFFF60]  }
0x95: {  	[tilespmem:s21+$0xE0] =	vst v0;
	v9 =	vld [tilespmem:s21+$0xF0]  }
0x96: {  	v1 =	vmul.f32 v2, v5;
	v5 =	vld [tilespmem:s20+$0xF0]  }
0x97: {  	v0 =	vld [tilespmem:s21+$0xFFFFFF70]  }
.Ltmp0:
0x98: {  	[tilespmem:s21+$0xFFFFFFE0] =	vst v1;
	v1 =	vld [tilespmem:s21+$0xFFFFFFF0];
	v2 =	vmul.f32 v7, v8;
	(pc) =	sbr.rel @p0 .LBB2_3-.Ltmp0, $4  }
0x99: {  	v4 =	vmul.f32 v6, v3;
	v3 =	vld [tilespmem:s20+$0xFFFFFFF0]  }
0x9a: {  	[tilespmem:s21+$0x60] =	vst v2;
	v2 =	vld [tilespmem:s21+$0x70]  }
0x9b: {  	[tilespmem:s21+$0xFFFFFF60] =	vst v4;
	v4 =	vld [tilespmem:s20+$0x70];
	v6 =	vmul.f32 v9, v5  }
0x9c: {  	v5 =	vld [tilespmem:s20+$0xFFFFFF70];
	s20 =	sadd.s32 $0x200, s20  }
0x9d: {  	_ =	sdelay $0x1  }
0x9e: {  	v1 =	vmul.f32 v1, v3  }
0x9f: {  	[tilespmem:s18+$0xF0] =	vst v6;
	v2 =	vmul.f32 v2, v4  }
0xa0: {  	s16 =	sadd.s32 $0x1, s16;
	[tilespmem:s18+$0xFFFFFFF0] =	vst v1;
	v0 =	vmul.f32 v0, v5  }
0xa1: {  	s17 =	sshll.u32 s17, $0x4;
	p0 =	sne.s32 s16, $0x19;
	[tilespmem:s18+$0x70] =	vst v2  }
.Ltmp1:
0xa2: {  	s17 =	sadd.s32 s6, s17;
	[tilespmem:s18+$0xFFFFFF70] =	vst v0;
	(pc) =	sbr.rel @p0 .LBB2_2-.Ltmp1, $4  }
0xa3: {  	[hbm4b:s17+s1] =	stream.linear.scatter [tilespmem:s13], [sflag:$0x2], $0xC800, $0x38;
	[tilespmem:$0x19320] =	vst v63  }
0xa4: {  	_ =	swait.ge [sflag:s11], $0xC800  }
0xa5: {  	[sflag:s11] =	ssyncset.done $0x0  }
0xa6: {  	[sflag:s11] =	ssyncadd.s32 $0xFFFF3800  }
0xa7: {  	s15 =	sadd.s32 $0x1, s15  }
0xa8: {  	p0 =	sne.s32 s15, s8  }
.Ltmp2:
0xa9: {  	_ = 	snop;
	(pc) =	sbr.rel @p0 .LBB2_1-.Ltmp2, $1  }
0xaa: {  	_ =	sdelay $0x3  }
0xab: {  	_ =	sfence.sel $0x180000  }
0xac: {  	[bflag:$0x0] =	sbarrier.arrive $0xFFFF  }
0xad: {  	p0 =	sne.s32 s2, $0x0;
	_ =	strace $0x90000047  }
0xae: {  	s0 =	sadd.s32 @!p0 $0x100000, s0;
	[bflag:$0x2] =	sbarrier.arrive $0xFFFF  }
0xaf: {  	[sflag:s0] =	ssyncadd.tile.s32 @!p0 $0x1;
	_ =	shalt  }
.Lfunc_end2:
_tile_overlayer_lowered:
.L_overlay_start_2:
0xb0: {  	(tag) =	ssettag $0x2  }
0xb1: {  	s0 =	rddreg [dreg:$0x0];
	s2 =	stileid.u32  }
0xb2: {  	s1 =	rddreg [dreg:$0x1];
	p0 =	sne.s32 s2, $0x0  }
0xb3: {  	s3 =	rddreg [dreg:$0x2];
	[bflag:$0x3] =	sbarrier.arrive $0xFFFF;
	s2 =	simm.s32 @!p0 $0x1C02  }
0xb4: {  	[timem:s3], [sflag:s2] =	dma.local @!p0 [hbm:s0], s1  }
0xb5: {  	s0 =	simm.s32 @!p0 $0x2  }
0xb6: {  	_ =	swait.ge @!p0 [sflag:s0], s1  }
0xb7: {  	s1 =	ssub.s32 @!p0 $0x0, s1;
	[sflag:s0] =	ssyncset.done @!p0 $0x0  }
0xb8: {  	[sflag:s0] =	ssyncadd.s32 @!p0 s1  }
0xb9: {  	[bflag:$0x3] =	sbarrier.arrive $0xFFFF  }
0xba: {  	_ =	shalt  }

</sc_bundles>
